<compile_context>
chip_gen: v7x
topology: tpu7x:2x2x1
jax: 0.10.2.dev20260603
libtpu: 0.0.44.dev20260713+nightly
codegen_flags: <defaults>
</compile_context>

<pallas_src>
import functools

import jax
import jax.numpy as jnp
from jax import lax
from jax.experimental import pallas as pl
from jax.experimental.pallas import tpu as pltpu
from jax.experimental.pallas import tpu_sc as plsc

F = 768
S = 2048
I = 1536
I3 = 3 * I
E = 8
T = 256
NT = S // T + E
P = NT * T
NW = 32
PREC = lax.Precision.DEFAULT


def _sc_gather(table, idx):
    R, D = table.shape
    (B,) = idx.shape
    bpw = B // NW
    chunk = min(bpw, 128, 393216 // (D * 4))
    nchunks = bpw // chunk
    assert bpw % chunk == 0 and chunk % 8 == 0

    mesh = plsc.VectorSubcoreMesh(core_axis_name="c", subcore_axis_name="s")

    @functools.partial(
        pl.kernel,
        mesh=mesh,
        out_type=jax.ShapeDtypeStruct((B, D), jnp.float32),
        scratch_types=[
            pltpu.VMEM((bpw,), jnp.int32),
            pltpu.VMEM((chunk, D), jnp.float32),
            pltpu.SemaphoreType.DMA,
        ],
    )
    def k(table_hbm, idx_hbm, out_hbm, idx_v, rows_v, sem):
        wid = lax.axis_index("s") * 2 + lax.axis_index("c")
        base = wid * bpw
        pltpu.sync_copy(idx_hbm.at[pl.ds(base, bpw)], idx_v)
        for c in range(nchunks):
            pltpu.async_copy(
                table_hbm.at[idx_v.at[pl.ds(c * chunk, chunk)]],
                rows_v, sem).wait()
            pltpu.sync_copy(rows_v,
                            out_hbm.at[pl.ds(base + c * chunk, chunk)])

    return k(table, idx)


def _sc_unsort3(t0, t1, t2, idx):
    mesh = plsc.VectorSubcoreMesh(core_axis_name="c", subcore_axis_name="s")
    bpw = S // NW

    @functools.partial(
        pl.kernel,
        mesh=mesh,
        out_type=jax.ShapeDtypeStruct((3 * S, I), jnp.float32),
        scratch_types=[
            pltpu.VMEM((bpw,), jnp.int32),
            pltpu.VMEM((bpw, I), jnp.float32),
            pltpu.SemaphoreType.DMA,
        ],
    )
    def k(t0_hbm, t1_hbm, t2_hbm, idx_hbm, out_hbm, idx_v, rows_v, sem):
        wid = lax.axis_index("s") * 2 + lax.axis_index("c")
        base = wid * bpw
        pltpu.sync_copy(idx_hbm.at[pl.ds(base, bpw)], idx_v)
        for ci, tt in enumerate((t0_hbm, t1_hbm, t2_hbm)):
            pltpu.async_copy(tt.at[idx_v], rows_v, sem).wait()
            pltpu.sync_copy(rows_v, out_hbm.at[pl.ds(ci * S + base, bpw)])

    return k(t0, t1, t2, idx)


def _cast_bf16(w, split):
    d0, d1, d2 = w.shape

    def body(w_ref, o_ref):
        o_ref[...] = w_ref[...].astype(jnp.bfloat16)

    return pl.pallas_call(
        body,
        grid=(d0, split),
        in_specs=[pl.BlockSpec((1, d1 // split, d2), lambda i, j: (i, j, 0))],
        out_specs=pl.BlockSpec((1, d1 // split, d2), lambda i, j: (i, j, 0)),
        out_shape=jax.ShapeDtypeStruct(w.shape, jnp.bfloat16),
    )(w)


def _group_mm(xs, w, te):
    Pp, K = xs.shape
    _, _, N = w.shape
    nt = Pp // T

    def body(te_ref, x_ref, w_ref, o0_ref, o1_ref, o2_ref):
        r = jnp.dot(x_ref[...].astype(jnp.bfloat16), w_ref[0],
                    precision=PREC, preferred_element_type=jnp.float32)
        o0_ref[...] = r[:, 0:I]
        o1_ref[...] = r[:, I:2 * I]
        o2_ref[...] = r[:, 2 * I:3 * I]

    gs = pltpu.PrefetchScalarGridSpec(
        num_scalar_prefetch=1,
        grid=(nt,),
        in_specs=[
            pl.BlockSpec((T, K), lambda i, te: (i, 0)),
            pl.BlockSpec((1, K, N), lambda i, te: (te[i], 0, 0)),
        ],
        out_specs=[pl.BlockSpec((T, I), lambda i, te: (i, 0))] * 3,
    )
    return pl.pallas_call(
        body, grid_spec=gs,
        out_shape=[jax.ShapeDtypeStruct((Pp, I), jnp.float32)] * 3,
    )(te, xs, w)


def _cumsum_norm(h):
    nb = S // T

    def body(d_ref, sc_ref, sh_ref, y_ref, carry):
        i = pl.program_id(0)

        @pl.when(i == 0)
        def _():
            carry[...] = jnp.zeros_like(carry)

        c = d_ref[...]
        for k in (1, 2, 4, 8, 16, 32, 64, 128):
            c = c + jnp.concatenate(
                [jnp.zeros((k, I), jnp.float32), c[:-k]], axis=0)
        c = c + carry[0:1, :]
        carry[0:1, :] = c[T - 1:T, :]

        div = (lax.broadcasted_iota(jnp.int32, (T, 1), 0)
               + 1 + i * T).astype(jnp.float32)
        r = c / (div * sc_ref[...] + sh_ref[...] + 1e-6)
        r = r * lax.rsqrt(jnp.mean(jnp.square(r), axis=-1, keepdims=True)
                          + 1e-6)
        y_ref[...] = jnp.where(r >= 0, r, 0.02 * r)

    nsb = S // T
    return pl.pallas_call(
        body,
        grid=(nb,),
        in_specs=[
            pl.BlockSpec((T, I), lambda i: (i, 0)),
            pl.BlockSpec((T, I), lambda i: (nsb + i, 0)),
            pl.BlockSpec((T, I), lambda i: (2 * nsb + i, 0)),
        ],
        out_specs=pl.BlockSpec((T, I), lambda i: (i, 0)),
        out_shape=jax.ShapeDtypeStruct((S, I), jnp.float32),
        scratch_shapes=[pltpu.VMEM((8, I), jnp.float32)],
    )(h, h, h)


def _conv(y, w1):
    nc = I // T
    nb = S // T

    def body(y_ref, w0_ref, w1_ref, wh_ref, t_ref, halo, ab):
        c = pl.program_id(0)
        s = pl.program_id(1)

        @pl.when(jnp.logical_and(c == 0, s == 0))
        def _():
            halo[0:8, :] = jnp.zeros((8, I), jnp.float32)

        ab[0:8, :] = halo[pl.ds(s * 8, 8), :]
        ab[8:, :] = y_ref[...]

        @pl.when(c == 0)
        def _():
            halo[pl.ds((s + 1) * 8, 8), :] = y_ref[T - 8:T, :]

        a = [ab[pl.ds(6 + k, T), :].astype(jnp.bfloat16) for k in range(3)]

        def cz(w_ref):
            z = jnp.dot(a[0], w_ref[0], precision=PREC,
                        preferred_element_type=jnp.float32)
            z = z + jnp.dot(a[1], w_ref[1], precision=PREC,
                            preferred_element_type=jnp.float32)
            z = z + jnp.dot(a[2], w_ref[2], precision=PREC,
                            preferred_element_type=jnp.float32)
            return z

        t_ref[...] = cz(w0_ref) * cz(w1_ref) + cz(wh_ref)

    return pl.pallas_call(
        body,
        grid=(nc, nb),
        in_specs=[
            pl.BlockSpec((T, I), lambda c, s: (s, 0)),
            pl.BlockSpec((3, I, T), lambda c, s: (0, 0, c)),
            pl.BlockSpec((3, I, T), lambda c, s: (0, 0, c + nc)),
            pl.BlockSpec((3, I, T), lambda c, s: (0, 0, c + 2 * nc)),
        ],
        out_specs=pl.BlockSpec((T, T), lambda c, s: (s, c)),
        out_shape=jax.ShapeDtypeStruct((S, I), jnp.float32),
        scratch_shapes=[
            pltpu.VMEM((72, I), jnp.float32),
            pltpu.VMEM((8 + T, I), jnp.float32),
        ],
    )(y, w1, w1, w1)


def _moe2_dense(u, oh, w2):

    def body(u_ref, oh_ref, w_ref, o_ref):
        ub = u_ref[...].astype(jnp.bfloat16)
        acc = jnp.zeros((T, F), jnp.float32)
        for e in range(E):
            p = jnp.dot(ub, w_ref[e], precision=PREC,
                        preferred_element_type=jnp.float32)
            acc = acc + oh_ref[:, e:e + 1] * p
        o_ref[...] = acc

    return pl.pallas_call(
        body,
        grid=(S // T,),
        in_specs=[
            pl.BlockSpec((T, I), lambda i: (i, 0)),
            pl.BlockSpec((T, E), lambda i: (i, 0)),
            pl.BlockSpec((E, I, F), lambda i: (0, 0, 0)),
        ],
        out_specs=pl.BlockSpec((T, F), lambda i: (i, 0)),
        out_shape=jax.ShapeDtypeStruct((S, F), jnp.float32),
    )(u, oh, w2)


def _norm_leaky(t):
    def body(t_ref, u_ref):
        r = t_ref[...]
        r = r * lax.rsqrt(jnp.mean(jnp.square(r), axis=-1, keepdims=True)
                          + 1e-6)
        u_ref[...] = jnp.where(r >= 0, r, 0.02 * r)

    return pl.pallas_call(
        body,
        grid=(S // T,),
        in_specs=[pl.BlockSpec((T, I), lambda i: (i, 0))],
        out_specs=pl.BlockSpec((T, I), lambda i: (i, 0)),
        out_shape=jax.ShapeDtypeStruct((S, I), jnp.float32),
    )(t)


def _route(e):
    ohi = jax.nn.one_hot(e, E, dtype=jnp.int32)
    counts = jnp.sum(ohi, axis=0)
    rank = jnp.sum((jnp.cumsum(ohi, axis=0) - ohi) * ohi, axis=1)
    ntiles = (counts + T - 1) // T
    tstart = jnp.concatenate(
        [jnp.zeros((1,), jnp.int32), jnp.cumsum(ntiles)[:-1]])
    slot = jnp.sum(tstart[None, :] * ohi, axis=1) * T + rank
    perm = jnp.zeros((P,), jnp.int32).at[slot].set(
        jnp.arange(S, dtype=jnp.int32))
    k = jnp.arange(NT, dtype=jnp.int32)
    te = jnp.sum((k[:, None] >= tstart[None, :]).astype(jnp.int32),
                 axis=1) - 1
    return perm, slot, te


def _gate(x3, gate_w):
    logits = jnp.einsum('bsf,fe->bse', x3, gate_w)
    gates = jax.nn.softmax(logits, axis=-1)
    idx = jnp.argmax(logits, axis=-1)
    oh = jax.nn.one_hot(idx, E, dtype=x3.dtype)
    loss = jnp.sum(jnp.mean(gates, axis=(0, 1)) * jnp.mean(oh, axis=(0, 1)))
    return idx[0].astype(jnp.int32), loss, oh[0]


def kernel(inp, w0_gate, w0, w1, w2_gate, w2):
    x3 = jnp.transpose(inp, (0, 2, 1))
    e1, loss0, _ = _gate(x3, w0_gate)
    perm1, slot1, te1 = _route(e1)

    xs = _sc_gather(x3[0], perm1)
    h0, h1, h2 = _group_mm(xs, _cast_bf16(w0, 2), te1)

    h = _sc_unsort3(h0, h1, h2, slot1)

    y = _cumsum_norm(h)

    t = _conv(y, _cast_bf16(w1, 4))
    u = _norm_leaky(t)

    _, loss1, oh2 = _gate(u[None], w2_gate)
    o = _moe2_dense(u, oh2, _cast_bf16(w2, 1))

    out = jnp.transpose(o[None], (0, 2, 1))
    return loss0, loss1, out

# --- scband reference (transcript-rebuilt; emitter-appended) ---
"""Pipeline reference for scband-linear-attention-27487790694454 (READ-ONLY COPY).

The authoritative reference and input builder live on the scoring server;
editing this copy changes nothing except your own understanding.
"""

import jax, jax.numpy as jnp
import numpy as np

FEATURES = 768
SEQ = 2048
BATCH = 1
INTERMEDIATE = 1536
EXPERTS = 8
KERNEL = 3
INIT_SCALE = 1.0


def _norm(x):
    return x * jax.lax.rsqrt(jnp.mean(jnp.square(x), axis=-1, keepdims=True) + 1e-6)


def _moe(x, gate_w, expert_w):
    # x: [B, S, F_in]; gate_w: [F_in, E]; expert_w: [E, F_in, F_out]
    logits = jnp.einsum('bsf,fe->bse', x, gate_w)
    gates = jax.nn.softmax(logits, axis=-1)
    idx = jnp.argmax(logits, axis=-1)
    oh = jax.nn.one_hot(idx, gate_w.shape[-1], dtype=x.dtype)
    # straight-through gumbel-style estimator: one_hot - sg(gates) + gates
    st = oh - jax.lax.stop_gradient(gates) + gates
    coeff = oh * st  # selected-expert coefficient (1.0 in fwd, grads flow via gates)
    out = jnp.zeros(x.shape[:2] + (expert_w.shape[-1],), dtype=x.dtype)
    for e in range(expert_w.shape[0]):
        out = out + coeff[:, :, e:e + 1] * (x @ expert_w[e])
    # load-balancing aux loss
    loss = jnp.sum(jnp.mean(gates, axis=(0, 1)) * jnp.mean(oh, axis=(0, 1)))
    return loss, out


def setup_inputs(seed: int = 0):
    key = jax.random.key(seed)
    ks = jax.random.split(key, 6)
    inp = jax.random.normal(ks[0], (BATCH, FEATURES, SEQ), dtype=jnp.float32)
    w0_gate = jax.random.normal(ks[1], (FEATURES, EXPERTS), dtype=jnp.float32) * 0.02
    w0 = jax.random.normal(ks[2], (EXPERTS, FEATURES, 3 * INTERMEDIATE), dtype=jnp.float32) * 0.02
    w1 = jax.random.normal(ks[3], (KERNEL, INTERMEDIATE, 3 * INTERMEDIATE), dtype=jnp.float32) * 0.02
    w2_gate = jax.random.normal(ks[4], (INTERMEDIATE, EXPERTS), dtype=jnp.float32) * 0.02
    w2 = jax.random.normal(ks[5], (EXPERTS, INTERMEDIATE, FEATURES), dtype=jnp.float32) * 0.02
    return {"inp": inp, "w0_gate": w0_gate, "w0": w0, "w1": w1, "w2_gate": w2_gate, "w2": w2}


def _forward(inp, w0_gate, w0, w1, w2_gate, w2):
    # inp: [B, F, S] -> tokens [B, S, F]
    x = jnp.transpose(inp, (0, 2, 1))
    # input-side MoE projecting F -> 3*I
    loss0, h = _moe(x, w0_gate, w0)
    depth, scale, shift = jnp.split(h, 3, axis=-1)
    # linear-attention style causal cumulative sum over sequence
    cum = jnp.cumsum(depth, axis=1)
    div = (jnp.arange(SEQ, dtype=inp.dtype) + 1.0).reshape(1, SEQ, 1)
    y = jax.nn.leaky_relu(_norm(cum / (div * scale + shift + 1e-6)), 0.02)
    # causal grouped conv I -> 3*I
    z = jax.lax.conv_general_dilated(y, w1, window_strides=(1,), padding=((KERNEL - 1, 0),), dimension_numbers=('NWC', 'WIO', 'NWC'))
    s0, s1, sh = jnp.split(z, 3, axis=-1)
    u = jax.nn.leaky_relu(_norm(s0 * s1 + sh), 0.02)
    # output-side MoE projecting I -> F
    loss1, o = _moe(u, w2_gate, w2)
    out = jnp.transpose(o, (0, 2, 1)) * INIT_SCALE
    return loss0, loss1, out


def reference(inp, w0_gate, w0, w1, w2_gate, w2):
    return _forward(inp, w0_gate, w0, w1, w2_gate, w2)

if __name__ == "__main__":
    import jax
    _d = setup_inputs()
    print(jax.jit(kernel)(*tuple(_d.values())))

</pallas_src>

<mosaic_0001>
#map = affine_map<(d0, d1) -> (0, 0)>
#map1 = affine_map<(d0, d1) -> (0)>
module attributes {stable_mosaic.version = 14 : i64} {
  func.func @k(%arg0: i32, %arg1: i32, %arg2: memref<4096x1536xf32, #tpu.memory_space<hbm>>, %arg3: memref<4096x1536xf32, #tpu.memory_space<hbm>>, %arg4: memref<4096x1536xf32, #tpu.memory_space<hbm>>, %arg5: memref<2048xi32, #tpu.memory_space<hbm>>, %arg6: memref<6144x1536xf32, #tpu.memory_space<hbm>>, %arg7: memref<64xi32, #tpu.memory_space<vmem>>, %arg8: memref<64x1536xf32, #tpu.memory_space<vmem>>, %arg9: memref<!tpu.dma_semaphore, #tpu.memory_space<semaphore_mem>>) attributes {dimension_semantics = [#tpu.dimension_semantics<core_parallel>, #tpu.dimension_semantics<subcore_parallel>], iteration_bounds = array<i64: 2, 16>, scalar_prefetch = 0 : i64, scratch_operands = 3 : i64, tpu.core_type = #tpu.core_type<sc_vector_subcore>, window_params = [{transform_indices = #map}, {transform_indices = #map}, {transform_indices = #map}, {transform_indices = #map1}, {transform_indices = #map}]} {
    %mul3A = arith.constant 2 : i32
    %mul3A_0 = arith.muli %arg1, %mul3A : i32
    %add3A = arith.addi %mul3A_0, %arg0 : i32
    %mul3A_1 = arith.constant 64 : i32
    %mul3A_2 = arith.muli %add3A, %mul3A_1 : i32
    "tpu.region"() ({
      %run_scoped3A = tpu.sem_alloc : memref<!tpu.dma_semaphore, #tpu.memory_space<semaphore_mem>>
      %dma_start3A_25 = tpu.memref_slice %arg5[%mul3A_2] : memref<2048xi32, #tpu.memory_space<hbm>> -> memref<64xi32, #tpu.memory_space<hbm>>
      %dma_start3A_26 = tpu.memref_slice %arg5[%mul3A_2] : memref<2048xi32, #tpu.memory_space<hbm>> -> memref<64xi32, #tpu.memory_space<hbm>>
      tpu.enqueue_dma source(%dma_start3A_26 : memref<64xi32, #tpu.memory_space<hbm>>) target(%arg7 : memref<64xi32, #tpu.memory_space<vmem>>) target_semaphore(%run_scoped3A : memref<!tpu.dma_semaphore, #tpu.memory_space<semaphore_mem>>)
      %dma_wait3A_27 = tpu.memref_slice %arg5[%mul3A_2] : memref<2048xi32, #tpu.memory_space<hbm>> -> memref<64xi32, #tpu.memory_space<hbm>>
      %dma_wait3A_28 = tpu.memref_slice %arg5[%mul3A_2] : memref<2048xi32, #tpu.memory_space<hbm>> -> memref<64xi32, #tpu.memory_space<hbm>>
      tpu.wait_dma2 semaphore(%run_scoped3A : memref<!tpu.dma_semaphore, #tpu.memory_space<semaphore_mem>>) src(%dma_wait3A_28 : memref<64xi32, #tpu.memory_space<hbm>>) dst(%arg7 : memref<64xi32, #tpu.memory_space<vmem>>)
      tpu.yield
    }) : () -> ()
    %dma_start3A = arith.constant 0 : i32
    %dma_start3A_3 = arith.constant 0 : i32
    %dma_start3A_4 = tpu.memref_slice %arg2[%dma_start3A, %dma_start3A_3] : memref<4096x1536xf32, #tpu.memory_space<hbm>> -> memref<4096x1536xf32, #tpu.memory_space<hbm>>
    tpu.enqueue_indirect_dma source(%dma_start3A_4 : memref<4096x1536xf32, #tpu.memory_space<hbm>>) target(%arg8 : memref<64x1536xf32, #tpu.memory_space<vmem>>) offsets(%arg7 : memref<64xi32, #tpu.memory_space<vmem>>) semaphore(%arg9 : memref<!tpu.dma_semaphore, #tpu.memory_space<semaphore_mem>>)
    %dma_wait3A = arith.constant 0 : i32
    %dma_wait3A_5 = arith.constant 0 : i32
    %dma_wait3A_6 = tpu.memref_slice %arg2[%dma_wait3A, %dma_wait3A_5] : memref<4096x1536xf32, #tpu.memory_space<hbm>> -> memref<4096x1536xf32, #tpu.memory_space<hbm>>
    tpu.wait_indirect_dma semaphore(%arg9 : memref<!tpu.dma_semaphore, #tpu.memory_space<semaphore_mem>>) src(%dma_wait3A_6 : memref<4096x1536xf32, #tpu.memory_space<hbm>>) dst(%arg8 : memref<64x1536xf32, #tpu.memory_space<vmem>>)
    %add3A_7 = arith.constant 0 : i32
    %add3A_8 = arith.addi %add3A_7, %mul3A_2 : i32
    "tpu.region"() ({
      %run_scoped3A = tpu.sem_alloc : memref<!tpu.dma_semaphore, #tpu.memory_space<semaphore_mem>>
      %dma_start3A_25 = arith.constant 0 : i32
      %dma_start3A_26 = tpu.memref_slice %arg6[%add3A_8, %dma_start3A_25] : memref<6144x1536xf32, #tpu.memory_space<hbm>> -> memref<64x1536xf32, #tpu.memory_space<hbm>>
      %dma_start3A_27 = arith.constant 0 : i32
      %dma_start3A_28 = tpu.memref_slice %arg6[%add3A_8, %dma_start3A_27] : memref<6144x1536xf32, #tpu.memory_space<hbm>> -> memref<64x1536xf32, #tpu.memory_space<hbm>>
      tpu.enqueue_dma source(%arg8 : memref<64x1536xf32, #tpu.memory_space<vmem>>) target(%dma_start3A_28 : memref<64x1536xf32, #tpu.memory_space<hbm>>) target_semaphore(%run_scoped3A : memref<!tpu.dma_semaphore, #tpu.memory_space<semaphore_mem>>)
      %dma_wait3A_29 = arith.constant 0 : i32
      %dma_wait3A_30 = tpu.memref_slice %arg6[%add3A_8, %dma_wait3A_29] : memref<6144x1536xf32, #tpu.memory_space<hbm>> -> memref<64x1536xf32, #tpu.memory_space<hbm>>
      %dma_wait3A_31 = arith.constant 0 : i32
      %dma_wait3A_32 = tpu.memref_slice %arg6[%add3A_8, %dma_wait3A_31] : memref<6144x1536xf32, #tpu.memory_space<hbm>> -> memref<64x1536xf32, #tpu.memory_space<hbm>>
      tpu.wait_dma2 semaphore(%run_scoped3A : memref<!tpu.dma_semaphore, #tpu.memory_space<semaphore_mem>>) src(%arg8 : memref<64x1536xf32, #tpu.memory_space<vmem>>) dst(%dma_wait3A_32 : memref<64x1536xf32, #tpu.memory_space<hbm>>)
      tpu.yield
    }) : () -> ()
    %dma_start3A_9 = arith.constant 0 : i32
    %dma_start3A_10 = arith.constant 0 : i32
    %dma_start3A_11 = tpu.memref_slice %arg3[%dma_start3A_9, %dma_start3A_10] : memref<4096x1536xf32, #tpu.memory_space<hbm>> -> memref<4096x1536xf32, #tpu.memory_space<hbm>>
    tpu.enqueue_indirect_dma source(%dma_start3A_11 : memref<4096x1536xf32, #tpu.memory_space<hbm>>) target(%arg8 : memref<64x1536xf32, #tpu.memory_space<vmem>>) offsets(%arg7 : memref<64xi32, #tpu.memory_space<vmem>>) semaphore(%arg9 : memref<!tpu.dma_semaphore, #tpu.memory_space<semaphore_mem>>)
    %dma_wait3A_12 = arith.constant 0 : i32
    %dma_wait3A_13 = arith.constant 0 : i32
    %dma_wait3A_14 = tpu.memref_slice %arg3[%dma_wait3A_12, %dma_wait3A_13] : memref<4096x1536xf32, #tpu.memory_space<hbm>> -> memref<4096x1536xf32, #tpu.memory_space<hbm>>
    tpu.wait_indirect_dma semaphore(%arg9 : memref<!tpu.dma_semaphore, #tpu.memory_space<semaphore_mem>>) src(%dma_wait3A_14 : memref<4096x1536xf32, #tpu.memory_space<hbm>>) dst(%arg8 : memref<64x1536xf32, #tpu.memory_space<vmem>>)
    %add3A_15 = arith.constant 2048 : i32
    %add3A_16 = arith.addi %add3A_15, %mul3A_2 : i32
    "tpu.region"() ({
      %run_scoped3A = tpu.sem_alloc : memref<!tpu.dma_semaphore, #tpu.memory_space<semaphore_mem>>
      %dma_start3A_25 = arith.constant 0 : i32
      %dma_start3A_26 = tpu.memref_slice %arg6[%add3A_16, %dma_start3A_25] : memref<6144x1536xf32, #tpu.memory_space<hbm>> -> memref<64x1536xf32, #tpu.memory_space<hbm>>
      %dma_start3A_27 = arith.constant 0 : i32
      %dma_start3A_28 = tpu.memref_slice %arg6[%add3A_16, %dma_start3A_27] : memref<6144x1536xf32, #tpu.memory_space<hbm>> -> memref<64x1536xf32, #tpu.memory_space<hbm>>
      tpu.enqueue_dma source(%arg8 : memref<64x1536xf32, #tpu.memory_space<vmem>>) target(%dma_start3A_28 : memref<64x1536xf32, #tpu.memory_space<hbm>>) target_semaphore(%run_scoped3A : memref<!tpu.dma_semaphore, #tpu.memory_space<semaphore_mem>>)
      %dma_wait3A_29 = arith.constant 0 : i32
      %dma_wait3A_30 = tpu.memref_slice %arg6[%add3A_16, %dma_wait3A_29] : memref<6144x1536xf32, #tpu.memory_space<hbm>> -> memref<64x1536xf32, #tpu.memory_space<hbm>>
      %dma_wait3A_31 = arith.constant 0 : i32
      %dma_wait3A_32 = tpu.memref_slice %arg6[%add3A_16, %dma_wait3A_31] : memref<6144x1536xf32, #tpu.memory_space<hbm>> -> memref<64x1536xf32, #tpu.memory_space<hbm>>
      tpu.wait_dma2 semaphore(%run_scoped3A : memref<!tpu.dma_semaphore, #tpu.memory_space<semaphore_mem>>) src(%arg8 : memref<64x1536xf32, #tpu.memory_space<vmem>>) dst(%dma_wait3A_32 : memref<64x1536xf32, #tpu.memory_space<hbm>>)
      tpu.yield
    }) : () -> ()
    %dma_start3A_17 = arith.constant 0 : i32
    %dma_start3A_18 = arith.constant 0 : i32
    %dma_start3A_19 = tpu.memref_slice %arg4[%dma_start3A_17, %dma_start3A_18] : memref<4096x1536xf32, #tpu.memory_space<hbm>> -> memref<4096x1536xf32, #tpu.memory_space<hbm>>
    tpu.enqueue_indirect_dma source(%dma_start3A_19 : memref<4096x1536xf32, #tpu.memory_space<hbm>>) target(%arg8 : memref<64x1536xf32, #tpu.memory_space<vmem>>) offsets(%arg7 : memref<64xi32, #tpu.memory_space<vmem>>) semaphore(%arg9 : memref<!tpu.dma_semaphore, #tpu.memory_space<semaphore_mem>>)
    %dma_wait3A_20 = arith.constant 0 : i32
    %dma_wait3A_21 = arith.constant 0 : i32
    %dma_wait3A_22 = tpu.memref_slice %arg4[%dma_wait3A_20, %dma_wait3A_21] : memref<4096x1536xf32, #tpu.memory_space<hbm>> -> memref<4096x1536xf32, #tpu.memory_space<hbm>>
    tpu.wait_indirect_dma semaphore(%arg9 : memref<!tpu.dma_semaphore, #tpu.memory_space<semaphore_mem>>) src(%dma_wait3A_22 : memref<4096x1536xf32, #tpu.memory_space<hbm>>) dst(%arg8 : memref<64x1536xf32, #tpu.memory_space<vmem>>)
    %add3A_23 = arith.constant 4096 : i32
    %add3A_24 = arith.addi %add3A_23, %mul3A_2 : i32
    "tpu.region"() ({
      %run_scoped3A = tpu.sem_alloc : memref<!tpu.dma_semaphore, #tpu.memory_space<semaphore_mem>>
      %dma_start3A_25 = arith.constant 0 : i32
      %dma_start3A_26 = tpu.memref_slice %arg6[%add3A_24, %dma_start3A_25] : memref<6144x1536xf32, #tpu.memory_space<hbm>> -> memref<64x1536xf32, #tpu.memory_space<hbm>>
      %dma_start3A_27 = arith.constant 0 : i32
      %dma_start3A_28 = tpu.memref_slice %arg6[%add3A_24, %dma_start3A_27] : memref<6144x1536xf32, #tpu.memory_space<hbm>> -> memref<64x1536xf32, #tpu.memory_space<hbm>>
      tpu.enqueue_dma source(%arg8 : memref<64x1536xf32, #tpu.memory_space<vmem>>) target(%dma_start3A_28 : memref<64x1536xf32, #tpu.memory_space<hbm>>) target_semaphore(%run_scoped3A : memref<!tpu.dma_semaphore, #tpu.memory_space<semaphore_mem>>)
      %dma_wait3A_29 = arith.constant 0 : i32
      %dma_wait3A_30 = tpu.memref_slice %arg6[%add3A_24, %dma_wait3A_29] : memref<6144x1536xf32, #tpu.memory_space<hbm>> -> memref<64x1536xf32, #tpu.memory_space<hbm>>
      %dma_wait3A_31 = arith.constant 0 : i32
      %dma_wait3A_32 = tpu.memref_slice %arg6[%add3A_24, %dma_wait3A_31] : memref<6144x1536xf32, #tpu.memory_space<hbm>> -> memref<64x1536xf32, #tpu.memory_space<hbm>>
      tpu.wait_dma2 semaphore(%run_scoped3A : memref<!tpu.dma_semaphore, #tpu.memory_space<semaphore_mem>>) src(%arg8 : memref<64x1536xf32, #tpu.memory_space<vmem>>) dst(%dma_wait3A_32 : memref<64x1536xf32, #tpu.memory_space<hbm>>)
      tpu.yield
    }) : () -> ()
    return
  }
}

#map = affine_map<(d0, d1) -> (0, 0)>
#map1 = affine_map<(d0, d1) -> (0)>
module attributes {stable_mosaic.version = 14 : i64} {
  func.func @k(%arg0: i32, %arg1: i32, %arg2: memref<2048x768xf32, #tpu.memory_space<hbm>>, %arg3: memref<4096xi32, #tpu.memory_space<hbm>>, %arg4: memref<4096x768xf32, #tpu.memory_space<hbm>>, %arg5: memref<128xi32, #tpu.memory_space<vmem>>, %arg6: memref<128x768xf32, #tpu.memory_space<vmem>>, %arg7: memref<!tpu.dma_semaphore, #tpu.memory_space<semaphore_mem>>) attributes {dimension_semantics = [#tpu.dimension_semantics<core_parallel>, #tpu.dimension_semantics<subcore_parallel>], iteration_bounds = array<i64: 2, 16>, scalar_prefetch = 0 : i64, scratch_operands = 3 : i64, tpu.core_type = #tpu.core_type<sc_vector_subcore>, window_params = [{transform_indices = #map}, {transform_indices = #map1}, {transform_indices = #map}]} {
    %mul3A = arith.constant 2 : i32
    %mul3A_0 = arith.muli %arg1, %mul3A : i32
    %add3A = arith.addi %mul3A_0, %arg0 : i32
    %mul3A_1 = arith.constant 128 : i32
    %mul3A_2 = arith.muli %add3A, %mul3A_1 : i32
    "tpu.region"() ({
      %run_scoped3A = tpu.sem_alloc : memref<!tpu.dma_semaphore, #tpu.memory_space<semaphore_mem>>
      %dma_start3A_13 = tpu.memref_slice %arg3[%mul3A_2] : memref<4096xi32, #tpu.memory_space<hbm>> -> memref<128xi32, #tpu.memory_space<hbm>>
      %dma_start3A_14 = tpu.memref_slice %arg3[%mul3A_2] : memref<4096xi32, #tpu.memory_space<hbm>> -> memref<128xi32, #tpu.memory_space<hbm>>
      tpu.enqueue_dma source(%dma_start3A_14 : memref<128xi32, #tpu.memory_space<hbm>>) target(%arg5 : memref<128xi32, #tpu.memory_space<vmem>>) target_semaphore(%run_scoped3A : memref<!tpu.dma_semaphore, #tpu.memory_space<semaphore_mem>>)
      %dma_wait3A_15 = tpu.memref_slice %arg3[%mul3A_2] : memref<4096xi32, #tpu.memory_space<hbm>> -> memref<128xi32, #tpu.memory_space<hbm>>
      %dma_wait3A_16 = tpu.memref_slice %arg3[%mul3A_2] : memref<4096xi32, #tpu.memory_space<hbm>> -> memref<128xi32, #tpu.memory_space<hbm>>
      tpu.wait_dma2 semaphore(%run_scoped3A : memref<!tpu.dma_semaphore, #tpu.memory_space<semaphore_mem>>) src(%dma_wait3A_16 : memref<128xi32, #tpu.memory_space<hbm>>) dst(%arg5 : memref<128xi32, #tpu.memory_space<vmem>>)
      tpu.yield
    }) : () -> ()
    %dma_start3A = arith.constant 0 : i32
    %dma_start3A_3 = tpu.memref_slice %arg5[%dma_start3A] : memref<128xi32, #tpu.memory_space<vmem>> -> memref<128xi32, #tpu.memory_space<vmem>>
    %dma_start3A_4 = arith.constant 0 : i32
    %dma_start3A_5 = arith.constant 0 : i32
    %dma_start3A_6 = tpu.memref_slice %arg2[%dma_start3A_4, %dma_start3A_5] : memref<2048x768xf32, #tpu.memory_space<hbm>> -> memref<2048x768xf32, #tpu.memory_space<hbm>>
    tpu.enqueue_indirect_dma source(%dma_start3A_6 : memref<2048x768xf32, #tpu.memory_space<hbm>>) target(%arg6 : memref<128x768xf32, #tpu.memory_space<vmem>>) offsets(%dma_start3A_3 : memref<128xi32, #tpu.memory_space<vmem>>) semaphore(%arg7 : memref<!tpu.dma_semaphore, #tpu.memory_space<semaphore_mem>>)
    %dma_wait3A = arith.constant 0 : i32
    %dma_wait3A_7 = tpu.memref_slice %arg5[%dma_wait3A] : memref<128xi32, #tpu.memory_space<vmem>> -> memref<128xi32, #tpu.memory_space<vmem>>
    %dma_wait3A_8 = arith.constant 0 : i32
    %dma_wait3A_9 = arith.constant 0 : i32
    %dma_wait3A_10 = tpu.memref_slice %arg2[%dma_wait3A_8, %dma_wait3A_9] : memref<2048x768xf32, #tpu.memory_space<hbm>> -> memref<2048x768xf32, #tpu.memory_space<hbm>>
    tpu.wait_indirect_dma semaphore(%arg7 : memref<!tpu.dma_semaphore, #tpu.memory_space<semaphore_mem>>) src(%dma_wait3A_10 : memref<2048x768xf32, #tpu.memory_space<hbm>>) dst(%arg6 : memref<128x768xf32, #tpu.memory_space<vmem>>)
    %add3A_11 = arith.constant 0 : i32
    %add3A_12 = arith.addi %mul3A_2, %add3A_11 : i32
    "tpu.region"() ({
      %run_scoped3A = tpu.sem_alloc : memref<!tpu.dma_semaphore, #tpu.memory_space<semaphore_mem>>
      %dma_start3A_13 = arith.constant 0 : i32
      %dma_start3A_14 = tpu.memref_slice %arg4[%add3A_12, %dma_start3A_13] : memref<4096x768xf32, #tpu.memory_space<hbm>> -> memref<128x768xf32, #tpu.memory_space<hbm>>
      %dma_start3A_15 = arith.constant 0 : i32
      %dma_start3A_16 = tpu.memref_slice %arg4[%add3A_12, %dma_start3A_15] : memref<4096x768xf32, #tpu.memory_space<hbm>> -> memref<128x768xf32, #tpu.memory_space<hbm>>
      tpu.enqueue_dma source(%arg6 : memref<128x768xf32, #tpu.memory_space<vmem>>) target(%dma_start3A_16 : memref<128x768xf32, #tpu.memory_space<hbm>>) target_semaphore(%run_scoped3A : memref<!tpu.dma_semaphore, #tpu.memory_space<semaphore_mem>>)
      %dma_wait3A_17 = arith.constant 0 : i32
      %dma_wait3A_18 = tpu.memref_slice %arg4[%add3A_12, %dma_wait3A_17] : memref<4096x768xf32, #tpu.memory_space<hbm>> -> memref<128x768xf32, #tpu.memory_space<hbm>>
      %dma_wait3A_19 = arith.constant 0 : i32
      %dma_wait3A_20 = tpu.memref_slice %arg4[%add3A_12, %dma_wait3A_19] : memref<4096x768xf32, #tpu.memory_space<hbm>> -> memref<128x768xf32, #tpu.memory_space<hbm>>
      tpu.wait_dma2 semaphore(%run_scoped3A : memref<!tpu.dma_semaphore, #tpu.memory_space<semaphore_mem>>) src(%arg6 : memref<128x768xf32, #tpu.memory_space<vmem>>) dst(%dma_wait3A_20 : memref<128x768xf32, #tpu.memory_space<hbm>>)
      tpu.yield
    }) : () -> ()
    return
  }
}

module attributes {stable_mosaic.version = 14 : i64} {
  func.func @body(%arg0: i32, %arg1: i32, %arg2: memref<1x384x4608xf32, #tpu.memory_space<vmem>>, %arg3: memref<1x384x4608xbf16, #tpu.memory_space<vmem>>) attributes {dimension_semantics = [#tpu.dimension_semantics<arbitrary>, #tpu.dimension_semantics<arbitrary>], iteration_bounds = array<i64: 8, 2>, scalar_prefetch = 0 : i64, scratch_operands = 0 : i64, tpu.core_type = #tpu.core_type<tc>, window_params = [{transform_indices = @transform_0, window_bounds = array<i64: 1, 384, 4608>}, {transform_indices = @transform_1, window_bounds = array<i64: 1, 384, 4608>}]} {
    %get3A = arith.constant 0 : index
    %get3A_0 = arith.constant 0 : index
    %get3A_1 = arith.constant 0 : index
    %get3A_2 = vector.load %arg2[%get3A, %get3A_0, %get3A_1] : memref<1x384x4608xf32, #tpu.memory_space<vmem>>, vector<1x384x4608xf32>
    %convert_element_type3A = arith.truncf %get3A_2 : vector<1x384x4608xf32> to vector<1x384x4608xbf16>
    %swap3A = arith.constant 0 : index
    %swap3A_3 = arith.constant 0 : index
    %swap3A_4 = arith.constant 0 : index
    %swap3A_5 = vector.load %arg3[%swap3A, %swap3A_3, %swap3A_4] : memref<1x384x4608xbf16, #tpu.memory_space<vmem>>, vector<1x384x4608xbf16>
    tpu.vector_store %arg3[%swap3A, %swap3A_3, %swap3A_4], %convert_element_type3A {strides = array<i32>} : memref<1x384x4608xbf16, #tpu.memory_space<vmem>>, vector<1x384x4608xbf16>,
    return
  }
  func.func @transform_0(%arg0: i32, %arg1: i32) -> (i32, i32, i32) {
    %c0_i32 = arith.constant 0 : i32
    %c0_i32_0 = arith.constant 0 : i32
    return %arg0, %arg1, %c0_i32 : i32, i32, i32
  }
  func.func @transform_1(%arg0: i32, %arg1: i32) -> (i32, i32, i32) {
    %c0_i32 = arith.constant 0 : i32
    %c0_i32_0 = arith.constant 0 : i32
    return %arg0, %arg1, %c0_i32 : i32, i32, i32
  }
}

module attributes {stable_mosaic.version = 14 : i64} {
  func.func @body(%arg0: i32, %arg1: memref<16xi32, #tpu.memory_space<smem>>, %arg2: memref<256x768xf32, #tpu.memory_space<vmem>>, %arg3: memref<1x768x4608xbf16, #tpu.memory_space<vmem>>, %arg4: memref<256x1536xf32, #tpu.memory_space<vmem>>, %arg5: memref<256x1536xf32, #tpu.memory_space<vmem>>, %arg6: memref<256x1536xf32, #tpu.memory_space<vmem>>) attributes {dimension_semantics = [#tpu.dimension_semantics<arbitrary>], iteration_bounds = array<i64: 16>, scalar_prefetch = 1 : i64, scratch_operands = 0 : i64, tpu.core_type = #tpu.core_type<tc>, window_params = [{transform_indices = @transform_0, window_bounds = array<i64: 256, 768>}, {transform_indices = @transform_1, window_bounds = array<i64: 1, 768, 4608>}, {transform_indices = @transform_2, window_bounds = array<i64: 256, 1536>}, {transform_indices = @transform_3, window_bounds = array<i64: 256, 1536>}, {transform_indices = @transform_4, window_bounds = array<i64: 256, 1536>}]} {
    %get3A = arith.constant 0 : index
    %get3A_0 = arith.constant 0 : index
    %get3A_1 = vector.load %arg2[%get3A, %get3A_0] : memref<256x768xf32, #tpu.memory_space<vmem>>, vector<256x768xf32>
    %convert_element_type3A = arith.truncf %get3A_1 : vector<256x768xf32> to vector<256x768xbf16>
    %get3A_2 = arith.constant 0 : index
    %get3A_3 = arith.constant 0 : index
    %get3A_4 = arith.constant 0 : index
    %get3A_5 = vector.load %arg3[%get3A_2, %get3A_3, %get3A_4] : memref<1x768x4608xbf16, #tpu.memory_space<vmem>>, vector<1x768x4608xbf16>
    %get3A_6 = vector.shape_cast %get3A_5 : vector<1x768x4608xbf16> to vector<768x4608xbf16>
    %dot_general3A = arith.constant dense<0.000000e+00> : vector<256x4608xf32>
    %dot_general3A_7 = tpu.matmul %convert_element_type3A, %get3A_6, %dot_general3A {dimension_numbers = #tpu.dot_dimension_numbers<[1], [0], [0], [1], [0, 0, 1, 1], [], []>, transpose_lhs_hint = false} : vector<256x768xbf16>, vector<768x4608xbf16>, vector<256x4608xf32> -> vector<256x4608xf32>
    %slice3A = vector.extract_strided_slice %dot_general3A_7 {offsets = [0, 0], sizes = [256, 1536], strides = [1, 1]} : vector<256x4608xf32> to vector<256x1536xf32>
    %swap3A = arith.constant 0 : index
    %swap3A_8 = arith.constant 0 : index
    %swap3A_9 = vector.load %arg4[%swap3A, %swap3A_8] : memref<256x1536xf32, #tpu.memory_space<vmem>>, vector<256x1536xf32>
    tpu.vector_store %arg4[%swap3A, %swap3A_8], %slice3A {strides = array<i32>} : memref<256x1536xf32, #tpu.memory_space<vmem>>, vector<256x1536xf32>,
    %slice3A_10 = vector.extract_strided_slice %dot_general3A_7 {offsets = [0, 1536], sizes = [256, 1536], strides = [1, 1]} : vector<256x4608xf32> to vector<256x1536xf32>
    %swap3A_11 = arith.constant 0 : index
    %swap3A_12 = arith.constant 0 : index
    %swap3A_13 = vector.load %arg5[%swap3A_11, %swap3A_12] : memref<256x1536xf32, #tpu.memory_space<vmem>>, vector<256x1536xf32>
    tpu.vector_store %arg5[%swap3A_11, %swap3A_12], %slice3A_10 {strides = array<i32>} : memref<256x1536xf32, #tpu.memory_space<vmem>>, vector<256x1536xf32>,
    %slice3A_14 = vector.extract_strided_slice %dot_general3A_7 {offsets = [0, 3072], sizes = [256, 1536], strides = [1, 1]} : vector<256x4608xf32> to vector<256x1536xf32>
    %swap3A_15 = arith.constant 0 : index
    %swap3A_16 = arith.constant 0 : index
    %swap3A_17 = vector.load %arg6[%swap3A_15, %swap3A_16] : memref<256x1536xf32, #tpu.memory_space<vmem>>, vector<256x1536xf32>
    tpu.vector_store %arg6[%swap3A_15, %swap3A_16], %slice3A_14 {strides = array<i32>} : memref<256x1536xf32, #tpu.memory_space<vmem>>, vector<256x1536xf32>,
    return
  }
  func.func @transform_0(%arg0: i32, %arg1: memref<16xi32, #tpu.memory_space<smem>>) -> (i32, i32) {
    %c0_i32 = arith.constant 0 : i32
    %c0_i32_0 = arith.constant 0 : i32
    return %arg0, %c0_i32 : i32, i32
  }
  func.func @transform_1(%arg0: i32, %arg1: memref<16xi32, #tpu.memory_space<smem>>) -> (i32, i32, i32) {
    %get3A = arith.index_cast %arg0 : i32 to index
    %get3A_0 = memref.load %arg1[%get3A] : memref<16xi32, #tpu.memory_space<smem>>
    %c0_i32 = arith.constant 0 : i32
    %c0_i32_1 = arith.constant 0 : i32
    %c0_i32_2 = arith.constant 0 : i32
    return %get3A_0, %c0_i32, %c0_i32_1 : i32, i32, i32
  }
  func.func @transform_2(%arg0: i32, %arg1: memref<16xi32, #tpu.memory_space<smem>>) -> (i32, i32) {
    %c0_i32 = arith.constant 0 : i32
    %c0_i32_0 = arith.constant 0 : i32
    return %arg0, %c0_i32 : i32, i32
  }
  func.func @transform_3(%arg0: i32, %arg1: memref<16xi32, #tpu.memory_space<smem>>) -> (i32, i32) {
    %c0_i32 = arith.constant 0 : i32
    %c0_i32_0 = arith.constant 0 : i32
    return %arg0, %c0_i32 : i32, i32
  }
  func.func @transform_4(%arg0: i32, %arg1: memref<16xi32, #tpu.memory_space<smem>>) -> (i32, i32) {
    %c0_i32 = arith.constant 0 : i32
    %c0_i32_0 = arith.constant 0 : i32
    return %arg0, %c0_i32 : i32, i32
  }
}

module attributes {stable_mosaic.version = 14 : i64} {
  func.func @body(%arg0: i32, %arg1: i32, %arg2: memref<1x384x4608xf32, #tpu.memory_space<vmem>>, %arg3: memref<1x384x4608xbf16, #tpu.memory_space<vmem>>) attributes {dimension_semantics = [#tpu.dimension_semantics<arbitrary>, #tpu.dimension_semantics<arbitrary>], iteration_bounds = array<i64: 3, 4>, scalar_prefetch = 0 : i64, scratch_operands = 0 : i64, tpu.core_type = #tpu.core_type<tc>, window_params = [{transform_indices = @transform_0, window_bounds = array<i64: 1, 384, 4608>}, {transform_indices = @transform_1, window_bounds = array<i64: 1, 384, 4608>}]} {
    %get3A = arith.constant 0 : index
    %get3A_0 = arith.constant 0 : index
    %get3A_1 = arith.constant 0 : index
    %get3A_2 = vector.load %arg2[%get3A, %get3A_0, %get3A_1] : memref<1x384x4608xf32, #tpu.memory_space<vmem>>, vector<1x384x4608xf32>
    %convert_element_type3A = arith.truncf %get3A_2 : vector<1x384x4608xf32> to vector<1x384x4608xbf16>
    %swap3A = arith.constant 0 : index
    %swap3A_3 = arith.constant 0 : index
    %swap3A_4 = arith.constant 0 : index
    %swap3A_5 = vector.load %arg3[%swap3A, %swap3A_3, %swap3A_4] : memref<1x384x4608xbf16, #tpu.memory_space<vmem>>, vector<1x384x4608xbf16>
    tpu.vector_store %arg3[%swap3A, %swap3A_3, %swap3A_4], %convert_element_type3A {strides = array<i32>} : memref<1x384x4608xbf16, #tpu.memory_space<vmem>>, vector<1x384x4608xbf16>,
    return
  }
  func.func @transform_0(%arg0: i32, %arg1: i32) -> (i32, i32, i32) {
    %c0_i32 = arith.constant 0 : i32
    %c0_i32_0 = arith.constant 0 : i32
    return %arg0, %arg1, %c0_i32 : i32, i32, i32
  }
  func.func @transform_1(%arg0: i32, %arg1: i32) -> (i32, i32, i32) {
    %c0_i32 = arith.constant 0 : i32
    %c0_i32_0 = arith.constant 0 : i32
    return %arg0, %arg1, %c0_i32 : i32, i32, i32
  }
}

module attributes {stable_mosaic.version = 14 : i64} {
  func.func @body(%arg0: i32, %arg1: i32, %arg2: memref<1x1536x768xf32, #tpu.memory_space<vmem>>, %arg3: memref<1x1536x768xbf16, #tpu.memory_space<vmem>>) attributes {dimension_semantics = [#tpu.dimension_semantics<arbitrary>, #tpu.dimension_semantics<arbitrary>], iteration_bounds = array<i64: 8, 1>, scalar_prefetch = 0 : i64, scratch_operands = 0 : i64, tpu.core_type = #tpu.core_type<tc>, window_params = [{transform_indices = @transform_0, window_bounds = array<i64: 1, 1536, 768>}, {transform_indices = @transform_1, window_bounds = array<i64: 1, 1536, 768>}]} {
    %get3A = arith.constant 0 : index
    %get3A_0 = arith.constant 0 : index
    %get3A_1 = arith.constant 0 : index
    %get3A_2 = vector.load %arg2[%get3A, %get3A_0, %get3A_1] : memref<1x1536x768xf32, #tpu.memory_space<vmem>>, vector<1x1536x768xf32>
    %convert_element_type3A = arith.truncf %get3A_2 : vector<1x1536x768xf32> to vector<1x1536x768xbf16>
    %swap3A = arith.constant 0 : index
    %swap3A_3 = arith.constant 0 : index
    %swap3A_4 = arith.constant 0 : index
    %swap3A_5 = vector.load %arg3[%swap3A, %swap3A_3, %swap3A_4] : memref<1x1536x768xbf16, #tpu.memory_space<vmem>>, vector<1x1536x768xbf16>
    tpu.vector_store %arg3[%swap3A, %swap3A_3, %swap3A_4], %convert_element_type3A {strides = array<i32>} : memref<1x1536x768xbf16, #tpu.memory_space<vmem>>, vector<1x1536x768xbf16>,
    return
  }
  func.func @transform_0(%arg0: i32, %arg1: i32) -> (i32, i32, i32) {
    %c0_i32 = arith.constant 0 : i32
    %c0_i32_0 = arith.constant 0 : i32
    return %arg0, %arg1, %c0_i32 : i32, i32, i32
  }
  func.func @transform_1(%arg0: i32, %arg1: i32) -> (i32, i32, i32) {
    %c0_i32 = arith.constant 0 : i32
    %c0_i32_0 = arith.constant 0 : i32
    return %arg0, %arg1, %c0_i32 : i32, i32, i32
  }
}

module attributes {stable_mosaic.version = 14 : i64} {
  func.func @body(%arg0: i32, %arg1: memref<256x1536xf32, #tpu.memory_space<vmem>>, %arg2: memref<256x1536xf32, #tpu.memory_space<vmem>>, %arg3: memref<256x1536xf32, #tpu.memory_space<vmem>>, %arg4: memref<256x1536xf32, #tpu.memory_space<vmem>>, %arg5: memref<8x1536xf32, #tpu.memory_space<vmem>>) attributes {dimension_semantics = [#tpu.dimension_semantics<arbitrary>], iteration_bounds = array<i64: 8>, scalar_prefetch = 0 : i64, scratch_operands = 1 : i64, tpu.core_type = #tpu.core_type<tc>, window_params = [{transform_indices = @transform_0, window_bounds = array<i64: 256, 1536>}, {transform_indices = @transform_1, window_bounds = array<i64: 256, 1536>}, {transform_indices = @transform_2, window_bounds = array<i64: 256, 1536>}, {transform_indices = @transform_3, window_bounds = array<i64: 256, 1536>}]} {
    %eq3A = arith.constant 0 : i32
    %eq3A_0 = arith.cmpi eq, %arg0, %eq3A : i32
    %convert_element_type3A = arith.extui %eq3A_0 : i1 to i32
    %cond3A = arith.constant 0 : i32
    %cond3A_1 = arith.cmpi ne, %convert_element_type3A, %cond3A : i32
    scf.if %cond3A_1 {
      %broadcast_in_dim3A_85 = arith.constant 0.000000e+00 : f32
      %broadcast_in_dim3A_86 = vector.broadcast %broadcast_in_dim3A_85 : f32 to vector<8x1536xf32>
      %swap3A_87 = arith.constant 0 : index
      %swap3A_88 = arith.constant 0 : index
      %swap3A_89 = vector.load %arg5[%swap3A_87, %swap3A_88] : memref<8x1536xf32, #tpu.memory_space<vmem>>, vector<8x1536xf32>
      tpu.vector_store %arg5[%swap3A_87, %swap3A_88], %broadcast_in_dim3A_86 {strides = array<i32>} : memref<8x1536xf32, #tpu.memory_space<vmem>>, vector<8x1536xf32>,
    } else {
    }
    %get3A = arith.constant 0 : index
    %get3A_2 = arith.constant 0 : index
    %get3A_3 = vector.load %arg1[%get3A, %get3A_2] : memref<256x1536xf32, #tpu.memory_space<vmem>>, vector<256x1536xf32>
    %broadcast_in_dim3A = arith.constant 0.000000e+00 : f32
    %broadcast_in_dim3A_4 = vector.broadcast %broadcast_in_dim3A : f32 to vector<1x1536xf32>
    %slice3A = vector.extract_strided_slice %get3A_3 {offsets = [0, 0], sizes = [255, 1536], strides = [1, 1]} : vector<256x1536xf32> to vector<255x1536xf32>
    %concatenate3A = tpu.concatenate %broadcast_in_dim3A_4, %slice3A in 0 : vector<1x1536xf32>, vector<255x1536xf32> -> vector<256x1536xf32>
    %add3A = arith.addf %get3A_3, %concatenate3A : vector<256x1536xf32>
    %broadcast_in_dim3A_5 = arith.constant 0.000000e+00 : f32
    %broadcast_in_dim3A_6 = vector.broadcast %broadcast_in_dim3A_5 : f32 to vector<2x1536xf32>
    %slice3A_7 = vector.extract_strided_slice %add3A {offsets = [0, 0], sizes = [254, 1536], strides = [1, 1]} : vector<256x1536xf32> to vector<254x1536xf32>
    %concatenate3A_8 = tpu.concatenate %broadcast_in_dim3A_6, %slice3A_7 in 0 : vector<2x1536xf32>, vector<254x1536xf32> -> vector<256x1536xf32>
    %add3A_9 = arith.addf %add3A, %concatenate3A_8 : vector<256x1536xf32>
    %broadcast_in_dim3A_10 = arith.constant 0.000000e+00 : f32
    %broadcast_in_dim3A_11 = vector.broadcast %broadcast_in_dim3A_10 : f32 to vector<4x1536xf32>
    %slice3A_12 = vector.extract_strided_slice %add3A_9 {offsets = [0, 0], sizes = [252, 1536], strides = [1, 1]} : vector<256x1536xf32> to vector<252x1536xf32>
    %concatenate3A_13 = tpu.concatenate %broadcast_in_dim3A_11, %slice3A_12 in 0 : vector<4x1536xf32>, vector<252x1536xf32> -> vector<256x1536xf32>
    %add3A_14 = arith.addf %add3A_9, %concatenate3A_13 : vector<256x1536xf32>
    %broadcast_in_dim3A_15 = arith.constant 0.000000e+00 : f32
    %broadcast_in_dim3A_16 = vector.broadcast %broadcast_in_dim3A_15 : f32 to vector<8x1536xf32>
    %slice3A_17 = vector.extract_strided_slice %add3A_14 {offsets = [0, 0], sizes = [248, 1536], strides = [1, 1]} : vector<256x1536xf32> to vector<248x1536xf32>
    %concatenate3A_18 = tpu.concatenate %broadcast_in_dim3A_16, %slice3A_17 in 0 : vector<8x1536xf32>, vector<248x1536xf32> -> vector<256x1536xf32>
    %add3A_19 = arith.addf %add3A_14, %concatenate3A_18 : vector<256x1536xf32>
    %broadcast_in_dim3A_20 = arith.constant 0.000000e+00 : f32
    %broadcast_in_dim3A_21 = vector.broadcast %broadcast_in_dim3A_20 : f32 to vector<16x1536xf32>
    %slice3A_22 = vector.extract_strided_slice %add3A_19 {offsets = [0, 0], sizes = [240, 1536], strides = [1, 1]} : vector<256x1536xf32> to vector<240x1536xf32>
    %concatenate3A_23 = tpu.concatenate %broadcast_in_dim3A_21, %slice3A_22 in 0 : vector<16x1536xf32>, vector<240x1536xf32> -> vector<256x1536xf32>
    %add3A_24 = arith.addf %add3A_19, %concatenate3A_23 : vector<256x1536xf32>
    %broadcast_in_dim3A_25 = arith.constant 0.000000e+00 : f32
    %broadcast_in_dim3A_26 = vector.broadcast %broadcast_in_dim3A_25 : f32 to vector<32x1536xf32>
    %slice3A_27 = vector.extract_strided_slice %add3A_24 {offsets = [0, 0], sizes = [224, 1536], strides = [1, 1]} : vector<256x1536xf32> to vector<224x1536xf32>
    %concatenate3A_28 = tpu.concatenate %broadcast_in_dim3A_26, %slice3A_27 in 0 : vector<32x1536xf32>, vector<224x1536xf32> -> vector<256x1536xf32>
    %add3A_29 = arith.addf %add3A_24, %concatenate3A_28 : vector<256x1536xf32>
    %broadcast_in_dim3A_30 = arith.constant 0.000000e+00 : f32
    %broadcast_in_dim3A_31 = vector.broadcast %broadcast_in_dim3A_30 : f32 to vector<64x1536xf32>
    %slice3A_32 = vector.extract_strided_slice %add3A_29 {offsets = [0, 0], sizes = [192, 1536], strides = [1, 1]} : vector<256x1536xf32> to vector<192x1536xf32>
    %concatenate3A_33 = tpu.concatenate %broadcast_in_dim3A_31, %slice3A_32 in 0 : vector<64x1536xf32>, vector<192x1536xf32> -> vector<256x1536xf32>
    %add3A_34 = arith.addf %add3A_29, %concatenate3A_33 : vector<256x1536xf32>
    %broadcast_in_dim3A_35 = arith.constant 0.000000e+00 : f32
    %broadcast_in_dim3A_36 = vector.broadcast %broadcast_in_dim3A_35 : f32 to vector<128x1536xf32>
    %slice3A_37 = vector.extract_strided_slice %add3A_34 {offsets = [0, 0], sizes = [128, 1536], strides = [1, 1]} : vector<256x1536xf32> to vector<128x1536xf32>
    %concatenate3A_38 = tpu.concatenate %broadcast_in_dim3A_36, %slice3A_37 in 0 : vector<128x1536xf32>, vector<128x1536xf32> -> vector<256x1536xf32>
    %add3A_39 = arith.addf %add3A_34, %concatenate3A_38 : vector<256x1536xf32>
    %get3A_40 = arith.constant 0 : index
    %get3A_41 = arith.constant 0 : index
    %get3A_42 = vector.load %arg5[%get3A_40, %get3A_41] : memref<8x1536xf32, #tpu.memory_space<vmem>>, vector<1x1536xf32>
    %add3A_43 = vector.broadcast %get3A_42 : vector<1x1536xf32> to vector<256x1536xf32>
    %add3A_44 = arith.addf %add3A_39, %add3A_43 : vector<256x1536xf32>
    %slice3A_45 = vector.extract_strided_slice %add3A_44 {offsets = [255, 0], sizes = [1, 1536], strides = [1, 1]} : vector<256x1536xf32> to vector<1x1536xf32>
    %swap3A = arith.constant 0 : index
    %swap3A_46 = arith.constant 0 : index
    %swap3A_47 = vector.load %arg5[%swap3A, %swap3A_46] : memref<8x1536xf32, #tpu.memory_space<vmem>>, vector<1x1536xf32>
    tpu.vector_store %arg5[%swap3A, %swap3A_46], %slice3A_45 {strides = array<i32>} : memref<8x1536xf32, #tpu.memory_space<vmem>>, vector<1x1536xf32>,
    %iota3A = tpu.iota {dimensions = array<i32: 0>} : vector<256x1xi32>
    %add3A_48 = arith.constant 1 : i32
    %add3A_49 = vector.broadcast %add3A_48 : i32 to vector<256x1xi32>
    %add3A_50 = arith.addi %iota3A, %add3A_49 : vector<256x1xi32>
    %mul3A = arith.constant 256 : i32
    %mul3A_51 = arith.muli %arg0, %mul3A : i32
    %add3A_52 = vector.broadcast %mul3A_51 : i32 to vector<256x1xi32>
    %add3A_53 = arith.addi %add3A_50, %add3A_52 : vector<256x1xi32>
    %convert_element_type3A_54 = arith.sitofp %add3A_53 : vector<256x1xi32> to vector<256x1xf32>
    %get3A_55 = arith.constant 0 : index
    %get3A_56 = arith.constant 0 : index
    %get3A_57 = vector.load %arg2[%get3A_55, %get3A_56] : memref<256x1536xf32, #tpu.memory_space<vmem>>, vector<256x1536xf32>
    %mul3A_58 = vector.broadcast %convert_element_type3A_54 : vector<256x1xf32> to vector<256x1536xf32>
    %mul3A_59 = arith.mulf %mul3A_58, %get3A_57 : vector<256x1536xf32>
    %get3A_60 = arith.constant 0 : index
    %get3A_61 = arith.constant 0 : index
    %get3A_62 = vector.load %arg3[%get3A_60, %get3A_61] : memref<256x1536xf32, #tpu.memory_space<vmem>>, vector<256x1536xf32>
    %add3A_63 = arith.addf %mul3A_59, %get3A_62 : vector<256x1536xf32>
    %add3A_64 = arith.constant 9.99999997E-7 : f32
    %add3A_65 = vector.broadcast %add3A_64 : f32 to vector<256x1536xf32>
    %add3A_66 = arith.addf %add3A_63, %add3A_65 : vector<256x1536xf32>
    %div3A = arith.divf %add3A_44, %add3A_66 : vector<256x1536xf32>
    %square3A = arith.mulf %div3A, %div3A : vector<256x1536xf32>
    %reduce_sum3A = arith.constant dense<0.000000e+00> : vector<256xf32>
    %reduce_sum3A_67 = vector.multi_reduction <add>, %square3A, %reduce_sum3A [1] : vector<256x1536xf32> to vector<256xf32>
    %broadcast_in_dim3A_68 = vector.shape_cast %reduce_sum3A_67 : vector<256xf32> to vector<256x1xf32>
    %div3A_69 = arith.constant 1.536000e+03 : f32
    %div3A_70 = vector.broadcast %div3A_69 : f32 to vector<256x1xf32>
    %div3A_71 = arith.divf %broadcast_in_dim3A_68, %div3A_70 : vector<256x1xf32>
    %add3A_72 = arith.constant 9.99999997E-7 : f32
    %add3A_73 = vector.broadcast %add3A_72 : f32 to vector<256x1xf32>
    %add3A_74 = arith.addf %div3A_71, %add3A_73 : vector<256x1xf32>
    %rsqrt3A = math.rsqrt %add3A_74 : vector<256x1xf32>
    %mul3A_75 = vector.broadcast %rsqrt3A : vector<256x1xf32> to vector<256x1536xf32>
    %mul3A_76 = arith.mulf %div3A, %mul3A_75 : vector<256x1536xf32>
    %ge3A = arith.constant 0.000000e+00 : f32
    %ge3A_77 = vector.broadcast %ge3A : f32 to vector<256x1536xf32>
    %ge3A_78 = arith.cmpf oge, %mul3A_76, %ge3A_77 : vector<256x1536xf32>
    %mul3A_79 = arith.constant 2.000000e-02 : f32
    %mul3A_80 = vector.broadcast %mul3A_79 : f32 to vector<256x1536xf32>
    %mul3A_81 = arith.mulf %mul3A_80, %mul3A_76 : vector<256x1536xf32>
    %select_n3A = arith.select %ge3A_78, %mul3A_76, %mul3A_81 : vector<256x1536xi1>, vector<256x1536xf32>
    %swap3A_82 = arith.constant 0 : index
    %swap3A_83 = arith.constant 0 : index
    %swap3A_84 = vector.load %arg4[%swap3A_82, %swap3A_83] : memref<256x1536xf32, #tpu.memory_space<vmem>>, vector<256x1536xf32>
    tpu.vector_store %arg4[%swap3A_82, %swap3A_83], %select_n3A {strides = array<i32>} : memref<256x1536xf32, #tpu.memory_space<vmem>>, vector<256x1536xf32>,
    return
  }
  func.func @transform_0(%arg0: i32) -> (i32, i32) {
    %c0_i32 = arith.constant 0 : i32
    %c0_i32_0 = arith.constant 0 : i32
    return %arg0, %c0_i32 : i32, i32
  }
  func.func @transform_1(%arg0: i32) -> (i32, i32) {
    %add3A = arith.constant 8 : i32
    %add3A_0 = arith.addi %add3A, %arg0 : i32
    %c0_i32 = arith.constant 0 : i32
    %c0_i32_1 = arith.constant 0 : i32
    return %add3A_0, %c0_i32 : i32, i32
  }
  func.func @transform_2(%arg0: i32) -> (i32, i32) {
    %add3A = arith.constant 16 : i32
    %add3A_0 = arith.addi %add3A, %arg0 : i32
    %c0_i32 = arith.constant 0 : i32
    %c0_i32_1 = arith.constant 0 : i32
    return %add3A_0, %c0_i32 : i32, i32
  }
  func.func @transform_3(%arg0: i32) -> (i32, i32) {
    %c0_i32 = arith.constant 0 : i32
    %c0_i32_0 = arith.constant 0 : i32
    return %arg0, %c0_i32 : i32, i32
  }
}

module attributes {stable_mosaic.version = 14 : i64} {
  func.func @body(%arg0: i32, %arg1: i32, %arg2: memref<256x1536xf32, #tpu.memory_space<vmem>>, %arg3: memref<3x1536x256xbf16, #tpu.memory_space<vmem>>, %arg4: memref<3x1536x256xbf16, #tpu.memory_space<vmem>>, %arg5: memref<3x1536x256xbf16, #tpu.memory_space<vmem>>, %arg6: memref<256x256xf32, #tpu.memory_space<vmem>>, %arg7: memref<72x1536xf32, #tpu.memory_space<vmem>>, %arg8: memref<264x1536xf32, #tpu.memory_space<vmem>>) attributes {dimension_semantics = [#tpu.dimension_semantics<arbitrary>, #tpu.dimension_semantics<arbitrary>], iteration_bounds = array<i64: 6, 8>, scalar_prefetch = 0 : i64, scratch_operands = 2 : i64, tpu.core_type = #tpu.core_type<tc>, window_params = [{transform_indices = @transform_0, window_bounds = array<i64: 256, 1536>}, {transform_indices = @transform_1, window_bounds = array<i64: 3, 1536, 256>}, {transform_indices = @transform_2, window_bounds = array<i64: 3, 1536, 256>}, {transform_indices = @transform_3, window_bounds = array<i64: 3, 1536, 256>}, {transform_indices = @transform_4, window_bounds = array<i64: 256, 256>}]} {
    %eq3A = arith.constant 0 : i32
    %eq3A_0 = arith.cmpi eq, %arg0, %eq3A : i32
    %eq3A_1 = arith.constant 0 : i32
    %eq3A_2 = arith.cmpi eq, %arg1, %eq3A_1 : i32
    %and3A = arith.andi %eq3A_0, %eq3A_2 : i1
    %convert_element_type3A = arith.extui %and3A : i1 to i32
    %cond3A = arith.constant 0 : i32
    %cond3A_3 = arith.cmpi ne, %convert_element_type3A, %cond3A : i32
    scf.if %cond3A_3 {
      %broadcast_in_dim3A = arith.constant 0.000000e+00 : f32
      %broadcast_in_dim3A_104 = vector.broadcast %broadcast_in_dim3A : f32 to vector<8x1536xf32>
      %swap3A_105 = arith.constant 0 : index
      %swap3A_106 = arith.constant 0 : index
      %swap3A_107 = vector.load %arg7[%swap3A_105, %swap3A_106] : memref<72x1536xf32, #tpu.memory_space<vmem>>, vector<8x1536xf32>
      tpu.vector_store %arg7[%swap3A_105, %swap3A_106], %broadcast_in_dim3A_104 {strides = array<i32>} : memref<72x1536xf32, #tpu.memory_space<vmem>>, vector<8x1536xf32>,
    } else {
    }
    %mul3A = arith.constant 8 : i32
    %mul3A_4 = arith.muli %arg1, %mul3A : i32
    %get3A = arith.index_cast %mul3A_4 : i32 to index
    %get3A_5 = arith.constant 0 : index
    %get3A_6 = vector.load %arg7[%get3A, %get3A_5] : memref<72x1536xf32, #tpu.memory_space<vmem>>, vector<8x1536xf32>
    %swap3A = arith.constant 0 : index
    %swap3A_7 = arith.constant 0 : index
    %swap3A_8 = vector.load %arg8[%swap3A, %swap3A_7] : memref<264x1536xf32, #tpu.memory_space<vmem>>, vector<8x1536xf32>
    tpu.vector_store %arg8[%swap3A, %swap3A_7], %get3A_6 {strides = array<i32>} : memref<264x1536xf32, #tpu.memory_space<vmem>>, vector<8x1536xf32>,
    %get3A_9 = arith.constant 0 : index
    %get3A_10 = arith.constant 0 : index
    %get3A_11 = vector.load %arg2[%get3A_9, %get3A_10] : memref<256x1536xf32, #tpu.memory_space<vmem>>, vector<256x1536xf32>
    %swap3A_12 = arith.constant 8 : index
    %swap3A_13 = arith.constant 0 : index
    %swap3A_14 = vector.load %arg8[%swap3A_12, %swap3A_13] : memref<264x1536xf32, #tpu.memory_space<vmem>>, vector<256x1536xf32>
    tpu.vector_store %arg8[%swap3A_12, %swap3A_13], %get3A_11 {strides = array<i32>} : memref<264x1536xf32, #tpu.memory_space<vmem>>, vector<256x1536xf32>,
    %eq3A_15 = arith.constant 0 : i32
    %eq3A_16 = arith.cmpi eq, %arg0, %eq3A_15 : i32
    %convert_element_type3A_17 = arith.extui %eq3A_16 : i1 to i32
    %cond3A_18 = arith.constant 0 : i32
    %cond3A_19 = arith.cmpi ne, %convert_element_type3A_17, %cond3A_18 : i32
    scf.if %cond3A_19 {
      %get3A_104 = arith.constant 248 : index
      %get3A_105 = arith.constant 0 : index
      %get3A_106 = vector.load %arg2[%get3A_104, %get3A_105] : memref<256x1536xf32, #tpu.memory_space<vmem>>, vector<8x1536xf32>
      %add3A_107 = arith.constant 1 : i32
      %add3A_108 = arith.addi %arg1, %add3A_107 : i32
      %mul3A_109 = arith.constant 8 : i32
      %mul3A_110 = arith.muli %add3A_108, %mul3A_109 : i32
      %swap3A_111 = arith.index_cast %mul3A_110 : i32 to index
      %swap3A_112 = arith.constant 0 : index
      %swap3A_113 = vector.load %arg7[%swap3A_111, %swap3A_112] : memref<72x1536xf32, #tpu.memory_space<vmem>>, vector<8x1536xf32>
      tpu.vector_store %arg7[%swap3A_111, %swap3A_112], %get3A_106 {strides = array<i32>} : memref<72x1536xf32, #tpu.memory_space<vmem>>, vector<8x1536xf32>,
    } else {
    }
    %get3A_20 = arith.constant 6 : index
    %get3A_21 = arith.constant 0 : index
    %get3A_22 = vector.load %arg8[%get3A_20, %get3A_21] : memref<264x1536xf32, #tpu.memory_space<vmem>>, vector<256x1536xf32>
    %convert_element_type3A_23 = arith.truncf %get3A_22 : vector<256x1536xf32> to vector<256x1536xbf16>
    %get3A_24 = arith.constant 7 : index
    %get3A_25 = arith.constant 0 : index
    %get3A_26 = vector.load %arg8[%get3A_24, %get3A_25] : memref<264x1536xf32, #tpu.memory_space<vmem>>, vector<256x1536xf32>
    %convert_element_type3A_27 = arith.truncf %get3A_26 : vector<256x1536xf32> to vector<256x1536xbf16>
    %get3A_28 = arith.constant 8 : index
    %get3A_29 = arith.constant 0 : index
    %get3A_30 = vector.load %arg8[%get3A_28, %get3A_29] : memref<264x1536xf32, #tpu.memory_space<vmem>>, vector<256x1536xf32>
    %convert_element_type3A_31 = arith.truncf %get3A_30 : vector<256x1536xf32> to vector<256x1536xbf16>
    %get3A_32 = arith.constant 0 : index
    %get3A_33 = arith.constant 0 : index
    %get3A_34 = arith.constant 0 : index
    %get3A_35 = vector.load %arg3[%get3A_32, %get3A_33, %get3A_34] : memref<3x1536x256xbf16, #tpu.memory_space<vmem>>, vector<1x1536x256xbf16>
    %get3A_36 = vector.shape_cast %get3A_35 : vector<1x1536x256xbf16> to vector<1536x256xbf16>
    %dot_general3A = arith.constant dense<0.000000e+00> : vector<256x256xf32>
    %dot_general3A_37 = tpu.matmul %convert_element_type3A_23, %get3A_36, %dot_general3A {dimension_numbers = #tpu.dot_dimension_numbers<[1], [0], [0], [1], [0, 0, 1, 1], [], []>, transpose_lhs_hint = false} : vector<256x1536xbf16>, vector<1536x256xbf16>, vector<256x256xf32> -> vector<256x256xf32>
    %get3A_38 = arith.constant 1 : index
    %get3A_39 = arith.constant 0 : index
    %get3A_40 = arith.constant 0 : index
    %get3A_41 = vector.load %arg3[%get3A_38, %get3A_39, %get3A_40] : memref<3x1536x256xbf16, #tpu.memory_space<vmem>>, vector<1x1536x256xbf16>
    %get3A_42 = vector.shape_cast %get3A_41 : vector<1x1536x256xbf16> to vector<1536x256xbf16>
    %dot_general3A_43 = arith.constant dense<0.000000e+00> : vector<256x256xf32>
    %dot_general3A_44 = tpu.matmul %convert_element_type3A_27, %get3A_42, %dot_general3A_43 {dimension_numbers = #tpu.dot_dimension_numbers<[1], [0], [0], [1], [0, 0, 1, 1], [], []>, transpose_lhs_hint = false} : vector<256x1536xbf16>, vector<1536x256xbf16>, vector<256x256xf32> -> vector<256x256xf32>
    %add3A = arith.addf %dot_general3A_37, %dot_general3A_44 : vector<256x256xf32>
    %get3A_45 = arith.constant 2 : index
    %get3A_46 = arith.constant 0 : index
    %get3A_47 = arith.constant 0 : index
    %get3A_48 = vector.load %arg3[%get3A_45, %get3A_46, %get3A_47] : memref<3x1536x256xbf16, #tpu.memory_space<vmem>>, vector<1x1536x256xbf16>
    %get3A_49 = vector.shape_cast %get3A_48 : vector<1x1536x256xbf16> to vector<1536x256xbf16>
    %dot_general3A_50 = arith.constant dense<0.000000e+00> : vector<256x256xf32>
    %dot_general3A_51 = tpu.matmul %convert_element_type3A_31, %get3A_49, %dot_general3A_50 {dimension_numbers = #tpu.dot_dimension_numbers<[1], [0], [0], [1], [0, 0, 1, 1], [], []>, transpose_lhs_hint = false} : vector<256x1536xbf16>, vector<1536x256xbf16>, vector<256x256xf32> -> vector<256x256xf32>
    %add3A_52 = arith.addf %add3A, %dot_general3A_51 : vector<256x256xf32>
    %get3A_53 = arith.constant 0 : index
    %get3A_54 = arith.constant 0 : index
    %get3A_55 = arith.constant 0 : index
    %get3A_56 = vector.load %arg4[%get3A_53, %get3A_54, %get3A_55] : memref<3x1536x256xbf16, #tpu.memory_space<vmem>>, vector<1x1536x256xbf16>
    %get3A_57 = vector.shape_cast %get3A_56 : vector<1x1536x256xbf16> to vector<1536x256xbf16>
    %dot_general3A_58 = arith.constant dense<0.000000e+00> : vector<256x256xf32>
    %dot_general3A_59 = tpu.matmul %convert_element_type3A_23, %get3A_57, %dot_general3A_58 {dimension_numbers = #tpu.dot_dimension_numbers<[1], [0], [0], [1], [0, 0, 1, 1], [], []>, transpose_lhs_hint = false} : vector<256x1536xbf16>, vector<1536x256xbf16>, vector<256x256xf32> -> vector<256x256xf32>
    %get3A_60 = arith.constant 1 : index
    %get3A_61 = arith.constant 0 : index
    %get3A_62 = arith.constant 0 : index
    %get3A_63 = vector.load %arg4[%get3A_60, %get3A_61, %get3A_62] : memref<3x1536x256xbf16, #tpu.memory_space<vmem>>, vector<1x1536x256xbf16>
    %get3A_64 = vector.shape_cast %get3A_63 : vector<1x1536x256xbf16> to vector<1536x256xbf16>
    %dot_general3A_65 = arith.constant dense<0.000000e+00> : vector<256x256xf32>
    %dot_general3A_66 = tpu.matmul %convert_element_type3A_27, %get3A_64, %dot_general3A_65 {dimension_numbers = #tpu.dot_dimension_numbers<[1], [0], [0], [1], [0, 0, 1, 1], [], []>, transpose_lhs_hint = false} : vector<256x1536xbf16>, vector<1536x256xbf16>, vector<256x256xf32> -> vector<256x256xf32>
    %add3A_67 = arith.addf %dot_general3A_59, %dot_general3A_66 : vector<256x256xf32>
    %get3A_68 = arith.constant 2 : index
    %get3A_69 = arith.constant 0 : index
    %get3A_70 = arith.constant 0 : index
    %get3A_71 = vector.load %arg4[%get3A_68, %get3A_69, %get3A_70] : memref<3x1536x256xbf16, #tpu.memory_space<vmem>>, vector<1x1536x256xbf16>
    %get3A_72 = vector.shape_cast %get3A_71 : vector<1x1536x256xbf16> to vector<1536x256xbf16>
    %dot_general3A_73 = arith.constant dense<0.000000e+00> : vector<256x256xf32>
    %dot_general3A_74 = tpu.matmul %convert_element_type3A_31, %get3A_72, %dot_general3A_73 {dimension_numbers = #tpu.dot_dimension_numbers<[1], [0], [0], [1], [0, 0, 1, 1], [], []>, transpose_lhs_hint = false} : vector<256x1536xbf16>, vector<1536x256xbf16>, vector<256x256xf32> -> vector<256x256xf32>
    %add3A_75 = arith.addf %add3A_67, %dot_general3A_74 : vector<256x256xf32>
    %mul3A_76 = arith.mulf %add3A_52, %add3A_75 : vector<256x256xf32>
    %get3A_77 = arith.constant 0 : index
    %get3A_78 = arith.constant 0 : index
    %get3A_79 = arith.constant 0 : index
    %get3A_80 = vector.load %arg5[%get3A_77, %get3A_78, %get3A_79] : memref<3x1536x256xbf16, #tpu.memory_space<vmem>>, vector<1x1536x256xbf16>
    %get3A_81 = vector.shape_cast %get3A_80 : vector<1x1536x256xbf16> to vector<1536x256xbf16>
    %dot_general3A_82 = arith.constant dense<0.000000e+00> : vector<256x256xf32>
    %dot_general3A_83 = tpu.matmul %convert_element_type3A_23, %get3A_81, %dot_general3A_82 {dimension_numbers = #tpu.dot_dimension_numbers<[1], [0], [0], [1], [0, 0, 1, 1], [], []>, transpose_lhs_hint = false} : vector<256x1536xbf16>, vector<1536x256xbf16>, vector<256x256xf32> -> vector<256x256xf32>
    %get3A_84 = arith.constant 1 : index
    %get3A_85 = arith.constant 0 : index
    %get3A_86 = arith.constant 0 : index
    %get3A_87 = vector.load %arg5[%get3A_84, %get3A_85, %get3A_86] : memref<3x1536x256xbf16, #tpu.memory_space<vmem>>, vector<1x1536x256xbf16>
    %get3A_88 = vector.shape_cast %get3A_87 : vector<1x1536x256xbf16> to vector<1536x256xbf16>
    %dot_general3A_89 = arith.constant dense<0.000000e+00> : vector<256x256xf32>
    %dot_general3A_90 = tpu.matmul %convert_element_type3A_27, %get3A_88, %dot_general3A_89 {dimension_numbers = #tpu.dot_dimension_numbers<[1], [0], [0], [1], [0, 0, 1, 1], [], []>, transpose_lhs_hint = false} : vector<256x1536xbf16>, vector<1536x256xbf16>, vector<256x256xf32> -> vector<256x256xf32>
    %add3A_91 = arith.addf %dot_general3A_83, %dot_general3A_90 : vector<256x256xf32>
    %get3A_92 = arith.constant 2 : index
    %get3A_93 = arith.constant 0 : index
    %get3A_94 = arith.constant 0 : index
    %get3A_95 = vector.load %arg5[%get3A_92, %get3A_93, %get3A_94] : memref<3x1536x256xbf16, #tpu.memory_space<vmem>>, vector<1x1536x256xbf16>
    %get3A_96 = vector.shape_cast %get3A_95 : vector<1x1536x256xbf16> to vector<1536x256xbf16>
    %dot_general3A_97 = arith.constant dense<0.000000e+00> : vector<256x256xf32>
    %dot_general3A_98 = tpu.matmul %convert_element_type3A_31, %get3A_96, %dot_general3A_97 {dimension_numbers = #tpu.dot_dimension_numbers<[1], [0], [0], [1], [0, 0, 1, 1], [], []>, transpose_lhs_hint = false} : vector<256x1536xbf16>, vector<1536x256xbf16>, vector<256x256xf32> -> vector<256x256xf32>
    %add3A_99 = arith.addf %add3A_91, %dot_general3A_98 : vector<256x256xf32>
    %add3A_100 = arith.addf %mul3A_76, %add3A_99 : vector<256x256xf32>
    %swap3A_101 = arith.constant 0 : index
    %swap3A_102 = arith.constant 0 : index
    %swap3A_103 = vector.load %arg6[%swap3A_101, %swap3A_102] : memref<256x256xf32, #tpu.memory_space<vmem>>, vector<256x256xf32>
    tpu.vector_store %arg6[%swap3A_101, %swap3A_102], %add3A_100 {strides = array<i32>} : memref<256x256xf32, #tpu.memory_space<vmem>>, vector<256x256xf32>,
    return
  }
  func.func @transform_0(%arg0: i32, %arg1: i32) -> (i32, i32) {
    %c0_i32 = arith.constant 0 : i32
    %c0_i32_0 = arith.constant 0 : i32
    return %arg1, %c0_i32 : i32, i32
  }
  func.func @transform_1(%arg0: i32, %arg1: i32) -> (i32, i32, i32) {
    %c0_i32 = arith.constant 0 : i32
    %c0_i32_0 = arith.constant 0 : i32
    %c0_i32_1 = arith.constant 0 : i32
    return %c0_i32, %c0_i32_0, %arg0 : i32, i32, i32
  }
  func.func @transform_2(%arg0: i32, %arg1: i32) -> (i32, i32, i32) {
    %add3A = arith.constant 6 : i32
    %add3A_0 = arith.addi %arg0, %add3A : i32
    %c0_i32 = arith.constant 0 : i32
    %c0_i32_1 = arith.constant 0 : i32
    %c0_i32_2 = arith.constant 0 : i32
    return %c0_i32, %c0_i32_1, %add3A_0 : i32, i32, i32
  }
  func.func @transform_3(%arg0: i32, %arg1: i32) -> (i32, i32, i32) {
    %add3A = arith.constant 12 : i32
    %add3A_0 = arith.addi %arg0, %add3A : i32
    %c0_i32 = arith.constant 0 : i32
    %c0_i32_1 = arith.constant 0 : i32
    %c0_i32_2 = arith.constant 0 : i32
    return %c0_i32, %c0_i32_1, %add3A_0 : i32, i32, i32
  }
  func.func @transform_4(%arg0: i32, %arg1: i32) -> (i32, i32) {
    %c0_i32 = arith.constant 0 : i32
    return %arg1, %arg0 : i32, i32
  }
}

module attributes {stable_mosaic.version = 14 : i64} {
  func.func @body(%arg0: i32, %arg1: memref<256x1536xf32, #tpu.memory_space<vmem>>, %arg2: memref<256x1536xf32, #tpu.memory_space<vmem>>) attributes {dimension_semantics = [#tpu.dimension_semantics<arbitrary>], iteration_bounds = array<i64: 8>, scalar_prefetch = 0 : i64, scratch_operands = 0 : i64, tpu.core_type = #tpu.core_type<tc>, window_params = [{transform_indices = @transform_0, window_bounds = array<i64: 256, 1536>}, {transform_indices = @transform_1, window_bounds = array<i64: 256, 1536>}]} {
    %get3A = arith.constant 0 : index
    %get3A_0 = arith.constant 0 : index
    %get3A_1 = vector.load %arg1[%get3A, %get3A_0] : memref<256x1536xf32, #tpu.memory_space<vmem>>, vector<256x1536xf32>
    %square3A = arith.mulf %get3A_1, %get3A_1 : vector<256x1536xf32>
    %reduce_sum3A = arith.constant dense<0.000000e+00> : vector<256xf32>
    %reduce_sum3A_2 = vector.multi_reduction <add>, %square3A, %reduce_sum3A [1] : vector<256x1536xf32> to vector<256xf32>
    %broadcast_in_dim3A = vector.shape_cast %reduce_sum3A_2 : vector<256xf32> to vector<256x1xf32>
    %div3A = arith.constant 1.536000e+03 : f32
    %div3A_3 = vector.broadcast %div3A : f32 to vector<256x1xf32>
    %div3A_4 = arith.divf %broadcast_in_dim3A, %div3A_3 : vector<256x1xf32>
    %add3A = arith.constant 9.99999997E-7 : f32
    %add3A_5 = vector.broadcast %add3A : f32 to vector<256x1xf32>
    %add3A_6 = arith.addf %div3A_4, %add3A_5 : vector<256x1xf32>
    %rsqrt3A = math.rsqrt %add3A_6 : vector<256x1xf32>
    %mul3A = vector.broadcast %rsqrt3A : vector<256x1xf32> to vector<256x1536xf32>
    %mul3A_7 = arith.mulf %get3A_1, %mul3A : vector<256x1536xf32>
    %ge3A = arith.constant 0.000000e+00 : f32
    %ge3A_8 = vector.broadcast %ge3A : f32 to vector<256x1536xf32>
    %ge3A_9 = arith.cmpf oge, %mul3A_7, %ge3A_8 : vector<256x1536xf32>
    %mul3A_10 = arith.constant 2.000000e-02 : f32
    %mul3A_11 = vector.broadcast %mul3A_10 : f32 to vector<256x1536xf32>
    %mul3A_12 = arith.mulf %mul3A_11, %mul3A_7 : vector<256x1536xf32>
    %select_n3A = arith.select %ge3A_9, %mul3A_7, %mul3A_12 : vector<256x1536xi1>, vector<256x1536xf32>
    %swap3A = arith.constant 0 : index
    %swap3A_13 = arith.constant 0 : index
    %swap3A_14 = vector.load %arg2[%swap3A, %swap3A_13] : memref<256x1536xf32, #tpu.memory_space<vmem>>, vector<256x1536xf32>
    tpu.vector_store %arg2[%swap3A, %swap3A_13], %select_n3A {strides = array<i32>} : memref<256x1536xf32, #tpu.memory_space<vmem>>, vector<256x1536xf32>,
    return
  }
  func.func @transform_0(%arg0: i32) -> (i32, i32) {
    %c0_i32 = arith.constant 0 : i32
    %c0_i32_0 = arith.constant 0 : i32
    return %arg0, %c0_i32 : i32, i32
  }
  func.func @transform_1(%arg0: i32) -> (i32, i32) {
    %c0_i32 = arith.constant 0 : i32
    %c0_i32_0 = arith.constant 0 : i32
    return %arg0, %c0_i32 : i32, i32
  }
}

module attributes {stable_mosaic.version = 14 : i64} {
  func.func @body(%arg0: i32, %arg1: memref<256x1536xf32, #tpu.memory_space<vmem>>, %arg2: memref<256x8xf32, #tpu.memory_space<vmem>>, %arg3: memref<8x1536x768xbf16, #tpu.memory_space<vmem>>, %arg4: memref<256x768xf32, #tpu.memory_space<vmem>>) attributes {dimension_semantics = [#tpu.dimension_semantics<arbitrary>], iteration_bounds = array<i64: 8>, scalar_prefetch = 0 : i64, scratch_operands = 0 : i64, tpu.core_type = #tpu.core_type<tc>, window_params = [{transform_indices = @transform_0, window_bounds = array<i64: 256, 1536>}, {transform_indices = @transform_1, window_bounds = array<i64: 256, 8>}, {pipeline_mode = #tpu.pipeline_mode<synchronous>, transform_indices = @transform_2, window_bounds = array<i64: 8, 1536, 768>}, {transform_indices = @transform_3, window_bounds = array<i64: 256, 768>}]} {
    %get3A = arith.constant 0 : index
    %get3A_0 = arith.constant 0 : index
    %get3A_1 = vector.load %arg1[%get3A, %get3A_0] : memref<256x1536xf32, #tpu.memory_space<vmem>>, vector<256x1536xf32>
    %convert_element_type3A = arith.truncf %get3A_1 : vector<256x1536xf32> to vector<256x1536xbf16>
    %broadcast_in_dim3A = arith.constant 0.000000e+00 : f32
    %broadcast_in_dim3A_2 = vector.broadcast %broadcast_in_dim3A : f32 to vector<256x768xf32>
    %get3A_3 = arith.constant 0 : index
    %get3A_4 = arith.constant 0 : index
    %get3A_5 = arith.constant 0 : index
    %get3A_6 = vector.load %arg3[%get3A_3, %get3A_4, %get3A_5] : memref<8x1536x768xbf16, #tpu.memory_space<vmem>>, vector<1x1536x768xbf16>
    %get3A_7 = vector.shape_cast %get3A_6 : vector<1x1536x768xbf16> to vector<1536x768xbf16>
    %dot_general3A = arith.constant dense<0.000000e+00> : vector<256x768xf32>
    %dot_general3A_8 = tpu.matmul %convert_element_type3A, %get3A_7, %dot_general3A {dimension_numbers = #tpu.dot_dimension_numbers<[1], [0], [0], [1], [0, 0, 1, 1], [], []>, transpose_lhs_hint = false} : vector<256x1536xbf16>, vector<1536x768xbf16>, vector<256x768xf32> -> vector<256x768xf32>
    %get3A_9 = arith.constant 0 : index
    %get3A_10 = arith.constant 0 : index
    %get3A_11 = vector.load %arg2[%get3A_9, %get3A_10] : memref<256x8xf32, #tpu.memory_space<vmem>>, vector<256x1xf32>
    %mul3A = vector.broadcast %get3A_11 : vector<256x1xf32> to vector<256x768xf32>
    %mul3A_12 = arith.mulf %mul3A, %dot_general3A_8 : vector<256x768xf32>
    %add3A = arith.addf %broadcast_in_dim3A_2, %mul3A_12 : vector<256x768xf32>
    %get3A_13 = arith.constant 1 : index
    %get3A_14 = arith.constant 0 : index
    %get3A_15 = arith.constant 0 : index
    %get3A_16 = vector.load %arg3[%get3A_13, %get3A_14, %get3A_15] : memref<8x1536x768xbf16, #tpu.memory_space<vmem>>, vector<1x1536x768xbf16>
    %get3A_17 = vector.shape_cast %get3A_16 : vector<1x1536x768xbf16> to vector<1536x768xbf16>
    %dot_general3A_18 = arith.constant dense<0.000000e+00> : vector<256x768xf32>
    %dot_general3A_19 = tpu.matmul %convert_element_type3A, %get3A_17, %dot_general3A_18 {dimension_numbers = #tpu.dot_dimension_numbers<[1], [0], [0], [1], [0, 0, 1, 1], [], []>, transpose_lhs_hint = false} : vector<256x1536xbf16>, vector<1536x768xbf16>, vector<256x768xf32> -> vector<256x768xf32>
    %get3A_20 = arith.constant 0 : index
    %get3A_21 = arith.constant 1 : index
    %get3A_22 = vector.load %arg2[%get3A_20, %get3A_21] : memref<256x8xf32, #tpu.memory_space<vmem>>, vector<256x1xf32>
    %mul3A_23 = vector.broadcast %get3A_22 : vector<256x1xf32> to vector<256x768xf32>
    %mul3A_24 = arith.mulf %mul3A_23, %dot_general3A_19 : vector<256x768xf32>
    %add3A_25 = arith.addf %add3A, %mul3A_24 : vector<256x768xf32>
    %get3A_26 = arith.constant 2 : index
    %get3A_27 = arith.constant 0 : index
    %get3A_28 = arith.constant 0 : index
    %get3A_29 = vector.load %arg3[%get3A_26, %get3A_27, %get3A_28] : memref<8x1536x768xbf16, #tpu.memory_space<vmem>>, vector<1x1536x768xbf16>
    %get3A_30 = vector.shape_cast %get3A_29 : vector<1x1536x768xbf16> to vector<1536x768xbf16>
    %dot_general3A_31 = arith.constant dense<0.000000e+00> : vector<256x768xf32>
    %dot_general3A_32 = tpu.matmul %convert_element_type3A, %get3A_30, %dot_general3A_31 {dimension_numbers = #tpu.dot_dimension_numbers<[1], [0], [0], [1], [0, 0, 1, 1], [], []>, transpose_lhs_hint = false} : vector<256x1536xbf16>, vector<1536x768xbf16>, vector<256x768xf32> -> vector<256x768xf32>
    %get3A_33 = arith.constant 0 : index
    %get3A_34 = arith.constant 2 : index
    %get3A_35 = vector.load %arg2[%get3A_33, %get3A_34] : memref<256x8xf32, #tpu.memory_space<vmem>>, vector<256x1xf32>
    %mul3A_36 = vector.broadcast %get3A_35 : vector<256x1xf32> to vector<256x768xf32>
    %mul3A_37 = arith.mulf %mul3A_36, %dot_general3A_32 : vector<256x768xf32>
    %add3A_38 = arith.addf %add3A_25, %mul3A_37 : vector<256x768xf32>
    %get3A_39 = arith.constant 3 : index
    %get3A_40 = arith.constant 0 : index
    %get3A_41 = arith.constant 0 : index
    %get3A_42 = vector.load %arg3[%get3A_39, %get3A_40, %get3A_41] : memref<8x1536x768xbf16, #tpu.memory_space<vmem>>, vector<1x1536x768xbf16>
    %get3A_43 = vector.shape_cast %get3A_42 : vector<1x1536x768xbf16> to vector<1536x768xbf16>
    %dot_general3A_44 = arith.constant dense<0.000000e+00> : vector<256x768xf32>
    %dot_general3A_45 = tpu.matmul %convert_element_type3A, %get3A_43, %dot_general3A_44 {dimension_numbers = #tpu.dot_dimension_numbers<[1], [0], [0], [1], [0, 0, 1, 1], [], []>, transpose_lhs_hint = false} : vector<256x1536xbf16>, vector<1536x768xbf16>, vector<256x768xf32> -> vector<256x768xf32>
    %get3A_46 = arith.constant 0 : index
    %get3A_47 = arith.constant 3 : index
    %get3A_48 = vector.load %arg2[%get3A_46, %get3A_47] : memref<256x8xf32, #tpu.memory_space<vmem>>, vector<256x1xf32>
    %mul3A_49 = vector.broadcast %get3A_48 : vector<256x1xf32> to vector<256x768xf32>
    %mul3A_50 = arith.mulf %mul3A_49, %dot_general3A_45 : vector<256x768xf32>
    %add3A_51 = arith.addf %add3A_38, %mul3A_50 : vector<256x768xf32>
    %get3A_52 = arith.constant 4 : index
    %get3A_53 = arith.constant 0 : index
    %get3A_54 = arith.constant 0 : index
    %get3A_55 = vector.load %arg3[%get3A_52, %get3A_53, %get3A_54] : memref<8x1536x768xbf16, #tpu.memory_space<vmem>>, vector<1x1536x768xbf16>
    %get3A_56 = vector.shape_cast %get3A_55 : vector<1x1536x768xbf16> to vector<1536x768xbf16>
    %dot_general3A_57 = arith.constant dense<0.000000e+00> : vector<256x768xf32>
    %dot_general3A_58 = tpu.matmul %convert_element_type3A, %get3A_56, %dot_general3A_57 {dimension_numbers = #tpu.dot_dimension_numbers<[1], [0], [0], [1], [0, 0, 1, 1], [], []>, transpose_lhs_hint = false} : vector<256x1536xbf16>, vector<1536x768xbf16>, vector<256x768xf32> -> vector<256x768xf32>
    %get3A_59 = arith.constant 0 : index
    %get3A_60 = arith.constant 4 : index
    %get3A_61 = vector.load %arg2[%get3A_59, %get3A_60] : memref<256x8xf32, #tpu.memory_space<vmem>>, vector<256x1xf32>
    %mul3A_62 = vector.broadcast %get3A_61 : vector<256x1xf32> to vector<256x768xf32>
    %mul3A_63 = arith.mulf %mul3A_62, %dot_general3A_58 : vector<256x768xf32>
    %add3A_64 = arith.addf %add3A_51, %mul3A_63 : vector<256x768xf32>
    %get3A_65 = arith.constant 5 : index
    %get3A_66 = arith.constant 0 : index
    %get3A_67 = arith.constant 0 : index
    %get3A_68 = vector.load %arg3[%get3A_65, %get3A_66, %get3A_67] : memref<8x1536x768xbf16, #tpu.memory_space<vmem>>, vector<1x1536x768xbf16>
    %get3A_69 = vector.shape_cast %get3A_68 : vector<1x1536x768xbf16> to vector<1536x768xbf16>
    %dot_general3A_70 = arith.constant dense<0.000000e+00> : vector<256x768xf32>
    %dot_general3A_71 = tpu.matmul %convert_element_type3A, %get3A_69, %dot_general3A_70 {dimension_numbers = #tpu.dot_dimension_numbers<[1], [0], [0], [1], [0, 0, 1, 1], [], []>, transpose_lhs_hint = false} : vector<256x1536xbf16>, vector<1536x768xbf16>, vector<256x768xf32> -> vector<256x768xf32>
    %get3A_72 = arith.constant 0 : index
    %get3A_73 = arith.constant 5 : index
    %get3A_74 = vector.load %arg2[%get3A_72, %get3A_73] : memref<256x8xf32, #tpu.memory_space<vmem>>, vector<256x1xf32>
    %mul3A_75 = vector.broadcast %get3A_74 : vector<256x1xf32> to vector<256x768xf32>
    %mul3A_76 = arith.mulf %mul3A_75, %dot_general3A_71 : vector<256x768xf32>
    %add3A_77 = arith.addf %add3A_64, %mul3A_76 : vector<256x768xf32>
    %get3A_78 = arith.constant 6 : index
    %get3A_79 = arith.constant 0 : index
    %get3A_80 = arith.constant 0 : index
    %get3A_81 = vector.load %arg3[%get3A_78, %get3A_79, %get3A_80] : memref<8x1536x768xbf16, #tpu.memory_space<vmem>>, vector<1x1536x768xbf16>
    %get3A_82 = vector.shape_cast %get3A_81 : vector<1x1536x768xbf16> to vector<1536x768xbf16>
    %dot_general3A_83 = arith.constant dense<0.000000e+00> : vector<256x768xf32>
    %dot_general3A_84 = tpu.matmul %convert_element_type3A, %get3A_82, %dot_general3A_83 {dimension_numbers = #tpu.dot_dimension_numbers<[1], [0], [0], [1], [0, 0, 1, 1], [], []>, transpose_lhs_hint = false} : vector<256x1536xbf16>, vector<1536x768xbf16>, vector<256x768xf32> -> vector<256x768xf32>
    %get3A_85 = arith.constant 0 : index
    %get3A_86 = arith.constant 6 : index
    %get3A_87 = vector.load %arg2[%get3A_85, %get3A_86] : memref<256x8xf32, #tpu.memory_space<vmem>>, vector<256x1xf32>
    %mul3A_88 = vector.broadcast %get3A_87 : vector<256x1xf32> to vector<256x768xf32>
    %mul3A_89 = arith.mulf %mul3A_88, %dot_general3A_84 : vector<256x768xf32>
    %add3A_90 = arith.addf %add3A_77, %mul3A_89 : vector<256x768xf32>
    %get3A_91 = arith.constant 7 : index
    %get3A_92 = arith.constant 0 : index
    %get3A_93 = arith.constant 0 : index
    %get3A_94 = vector.load %arg3[%get3A_91, %get3A_92, %get3A_93] : memref<8x1536x768xbf16, #tpu.memory_space<vmem>>, vector<1x1536x768xbf16>
    %get3A_95 = vector.shape_cast %get3A_94 : vector<1x1536x768xbf16> to vector<1536x768xbf16>
    %dot_general3A_96 = arith.constant dense<0.000000e+00> : vector<256x768xf32>
    %dot_general3A_97 = tpu.matmul %convert_element_type3A, %get3A_95, %dot_general3A_96 {dimension_numbers = #tpu.dot_dimension_numbers<[1], [0], [0], [1], [0, 0, 1, 1], [], []>, transpose_lhs_hint = false} : vector<256x1536xbf16>, vector<1536x768xbf16>, vector<256x768xf32> -> vector<256x768xf32>
    %get3A_98 = arith.constant 0 : index
    %get3A_99 = arith.constant 7 : index
    %get3A_100 = vector.load %arg2[%get3A_98, %get3A_99] : memref<256x8xf32, #tpu.memory_space<vmem>>, vector<256x1xf32>
    %mul3A_101 = vector.broadcast %get3A_100 : vector<256x1xf32> to vector<256x768xf32>
    %mul3A_102 = arith.mulf %mul3A_101, %dot_general3A_97 : vector<256x768xf32>
    %add3A_103 = arith.addf %add3A_90, %mul3A_102 : vector<256x768xf32>
    %swap3A = arith.constant 0 : index
    %swap3A_104 = arith.constant 0 : index
    %swap3A_105 = vector.load %arg4[%swap3A, %swap3A_104] : memref<256x768xf32, #tpu.memory_space<vmem>>, vector<256x768xf32>
    tpu.vector_store %arg4[%swap3A, %swap3A_104], %add3A_103 {strides = array<i32>} : memref<256x768xf32, #tpu.memory_space<vmem>>, vector<256x768xf32>,
    return
  }
  func.func @transform_0(%arg0: i32) -> (i32, i32) {
    %c0_i32 = arith.constant 0 : i32
    %c0_i32_0 = arith.constant 0 : i32
    return %arg0, %c0_i32 : i32, i32
  }
  func.func @transform_1(%arg0: i32) -> (i32, i32) {
    %c0_i32 = arith.constant 0 : i32
    %c0_i32_0 = arith.constant 0 : i32
    return %arg0, %c0_i32 : i32, i32
  }
  func.func @transform_2(%arg0: i32) -> (i32, i32, i32) {
    %c0_i32 = arith.constant 0 : i32
    %c0_i32_0 = arith.constant 0 : i32
    %c0_i32_1 = arith.constant 0 : i32
    %c0_i32_2 = arith.constant 0 : i32
    return %c0_i32, %c0_i32_0, %c0_i32_1 : i32, i32, i32
  }
  func.func @transform_3(%arg0: i32) -> (i32, i32) {
    %c0_i32 = arith.constant 0 : i32
    %c0_i32_0 = arith.constant 0 : i32
    return %arg0, %c0_i32 : i32, i32
  }
}

</mosaic_0001>

<sc_bundles>
// kernel: kernel.12.cloned.1.call-start
scs
__scs_entry_jumppad:
0x0: {  	(pc) =	sbr.rel $0x88, $3  }
0x1: {  	(tag) =	ssettag $0x0;
	lr =	simm.s32 $0x1  }
0x2: {  	[smem:$0x3F9B] =	sst lr;
	_ =	strace $0xD0000000  }
0x3: {  	_ = 	snop  }
0x4: {  	_ = 	snop  }
0x5: {  	_ = 	snop  }
0x6: {  	_ = 	snop  }
0x7: {  	_ = 	snop  }
__scs_overlays_trampoline_lowered:
0x8: {  	[smem:$0x3FAA] =	sst s0  }
0x9: {  	[smem:$0x3FAB] =	sst s1  }
0xa: {  	[smem:$0x3FAC] =	sst s2  }
0xb: {  	[smem:$0x3FAD] =	sst s3  }
0xc: {  	[smem:$0x3FAE] =	sst s4  }
0xd: {  	[smem:$0x3FAF] =	sst s5  }
0xe: {  	[smem:$0x3FB0] =	sst s6  }
0xf: {  	[smem:$0x3FB1] =	sst s7  }
0x10: {  	[smem:$0x3FB2] =	sst s8  }
0x11: {  	[smem:$0x3FB3] =	sst s9;
	s0 =	simm.s32 @!p0 $0x0  }
0x12: {  	s1 =	sld [smem:$0x3F99];
	s0 =	simm.s32 @p0 $0x1  }
0x13: {  	[smem:$0x3FB4] =	sst s0;
	s0 =	simm.s32 @!p1 $0x0  }
0x14: {  	s2 =	sld [smem:$0x3F98];
	s0 =	simm.s32 @p1 $0x1  }
0x15: {  	[smem:$0x3FB5] =	sst s0;
	s0 =	simm.s32 @!p2 $0x0  }
0x16: {  	s3 =	sld [smem:$0x3FDB];
	s0 =	simm.s32 @p2 $0x1  }
0x17: {  	s4 =	simm.s32 $0x1BF5;
	[smem:$0x3FB7] =	sst s0  }
0x18: {  	s0 =	sld [smem:$0x3F9A];
	_ =	swait.ge [sflag:s4], $0x0  }
0x19: {  	s7 =	sld [smem:$0x3F9B]  }
0x1a: {  	s8 =	sadd.s32 $0xFFFFE003, lr  }
0x1b: {  	s9 =	sadd.s32 $0xFFFFFEF7, lr;
	s5 =	simm.s32 $0xFFFFFFFF;
	p2 =	slt.u32 s8, $0xFFFFF086  }
0x1c: {  	p1 =	slt.u32 s9, $0xF7A;
	s5 =	simm.s32 @!p2 $0x0  }
0x1d: {  	s5 =	simm.s32 @p1 $0x1;
	p0 =	seq.s32 s7, s2  }
0x1e: {  	s7 =	smul.u32 @!p0 $0xF7A, s2;
	p2 =	seq.s32 @!p0 s5, $0x0  }
0x1f: {  	s9 =	smul.u32 $0xF7A, s1;
	s8 =	simm.s32 @!p0 $0x1BF5;
	p2 =	por !p2, p0  }
0x20: {  	[sflag:s8] =	ssyncset.s32 @!p0 $0xFFFFF086;
	s6 =	sadd.s32 @!p0 s3, s7;
	s7 =	simm.s32 @!p0 $0x108  }
0x21: {  	s3 =	sadd.s32 s3, s9;
	s6 =	sadd.s32 @!p0 $0x88, s6;
	s7 =	simm.s32 @p2 $0x1082  }
0x22: {  	[simem:s7], [sflag:s8] =	dma.local @!p0 [hbm:s6], $0xF7A  }
0x23: {  	s9 =	sor.u32 $0xD0000000, s2;
	s6 =	simm.s32 $0x108;
	_ =	swait.ge @!p0 [sflag:s8], $0x0  }
0x24: {  	s3 =	sadd.s32 $0x88, s3;
	s6 =	simm.s32 @!p1 $0x1082;
	[sflag:s4] =	ssyncset.s32 $0xFFFFF086  }
0x25: {  	[simem:s6], [sflag:s4] =	dma.local [hbm:s3], $0xF7A  }
0x26: {  	[smem:$0x3F9B] =	sst s1;
	(tag) =	ssettag s2;
	_ =	strace s9  }
0x27: {  	s1 =	sld [smem:$0x3FAB]  }
0x28: {  	s2 =	sld [smem:$0x3FAC]  }
0x29: {  	s4 =	sld [smem:$0x3FAE]  }
0x2a: {  	p0 =	seq.s32 s5, $0x0;
	s5 =	sld [smem:$0x3FAF]  }
0x2b: {  	s6 =	sld [smem:$0x3FB0]  }
0x2c: {  	s7 =	sld [smem:$0x3FB1]  }
0x2d: {  	s3 =	simm.s32 $0x108;
	s8 =	sld [smem:$0x3FB2]  }
0x2e: {  	s3 =	simm.s32 @!p0 $0x1082;
	s9 =	sld [smem:$0x3FB3]  }
0x2f: {  	lr =	sadd.s32 s0, s3;
	s0 =	sld [smem:$0x3FAA]  }
0x30: {  	s3 =	sld [smem:$0x3FAD]  }
0x31: {  	[smem:$0x3FB6] =	sst s10  }
0x32: {  	s10 =	sld [smem:$0x3FB4];
	_ =	sdelay $0x3  }
0x33: {  	p0 =	seq.s32 s10, $0x1;
	s10 =	sld [smem:$0x3FB6];
	_ =	sdelay $0x3  }
0x34: {  	[smem:$0x3FB6] =	sst s10  }
0x35: {  	s10 =	sld [smem:$0x3FB5];
	_ =	sdelay $0x3  }
0x36: {  	p1 =	seq.s32 s10, $0x1;
	s10 =	sld [smem:$0x3FB6];
	_ =	sdelay $0x3  }
0x37: {  	[smem:$0x3FB6] =	sst s10  }
0x38: {  	s10 =	sld [smem:$0x3FB7]  }
0x39: {  	_ = 	snop;
	(pc) =	sbr.ind lr, $3  }
0x3a: {  	_ = 	snop  }
0x3b: {  	_ = 	snop  }
0x3c: {  	p2 =	seq.s32 s10, $0x1;
	s10 =	sld [smem:$0x3FB6]  }
0x3d: {  	_ =	shalt  }
0x3e: {  	_ =	shalt  }
0x3f: {  	_ =	shalt  }
0x40: {  	_ =	shalt  }
0x41: {  	_ =	shalt  }
0x42: {  	_ =	shalt  }
0x43: {  	_ =	shalt  }
0x44: {  	_ =	shalt  }
0x45: {  	_ =	shalt  }
0x46: {  	_ =	shalt  }
0x47: {  	_ =	shalt  }
0x48: {  	_ =	shalt  }
0x49: {  	_ =	shalt  }
0x4a: {  	_ =	shalt  }
0x4b: {  	_ =	shalt  }
0x4c: {  	_ =	shalt  }
0x4d: {  	_ =	shalt  }
0x4e: {  	_ =	shalt  }
0x4f: {  	_ =	shalt  }
0x50: {  	_ =	shalt  }
0x51: {  	_ =	shalt  }
0x52: {  	_ =	shalt  }
0x53: {  	_ =	shalt  }
0x54: {  	_ =	shalt  }
0x55: {  	_ =	shalt  }
0x56: {  	_ =	shalt  }
0x57: {  	_ =	shalt  }
0x58: {  	_ =	shalt  }
0x59: {  	_ =	shalt  }
0x5a: {  	_ =	shalt  }
0x5b: {  	_ =	shalt  }
0x5c: {  	_ =	shalt  }
0x5d: {  	_ =	shalt  }
0x5e: {  	_ =	shalt  }
0x5f: {  	_ =	shalt  }
0x60: {  	_ =	shalt  }
0x61: {  	_ =	shalt  }
0x62: {  	_ =	shalt  }
0x63: {  	_ =	shalt  }
0x64: {  	_ =	shalt  }
0x65: {  	_ =	shalt  }
0x66: {  	_ =	shalt  }
0x67: {  	_ =	shalt  }
0x68: {  	_ =	shalt  }
0x69: {  	_ =	shalt  }
0x6a: {  	_ =	shalt  }
0x6b: {  	_ =	shalt  }
0x6c: {  	_ =	shalt  }
0x6d: {  	_ =	shalt  }
0x6e: {  	_ =	shalt  }
0x6f: {  	_ =	shalt  }
0x70: {  	_ =	shalt  }
0x71: {  	_ =	shalt  }
0x72: {  	_ =	shalt  }
0x73: {  	_ =	shalt  }
0x74: {  	_ =	shalt  }
0x75: {  	_ =	shalt  }
0x76: {  	_ =	shalt  }
0x77: {  	_ =	shalt  }
0x78: {  	_ =	shalt  }
0x79: {  	_ =	shalt  }
0x7a: {  	_ =	shalt  }
0x7b: {  	_ =	shalt  }
0x7c: {  	_ =	shalt  }
0x7d: {  	_ =	shalt  }
0x7e: {  	_ =	shalt  }
0x7f: {  	_ =	shalt  }
0x80: {  	_ =	shalt  }
0x81: {  	_ =	shalt  }
0x82: {  	_ =	shalt  }
0x83: {  	_ =	shalt  }
0x84: {  	_ =	shalt  }
0x85: {  	_ =	shalt  }
0x86: {  	_ =	shalt  }
0x87: {  	_ =	shalt  }
.Lfunc_end0:
.L_simem_size_0:
called_computation_lowered:
.L_overlay_start_0:
0x88: {  	s2 =	sld [smem:$0x3FD9]  }
0x89: {  	s3 =	sld [smem:$0x3FFE];
	_ =	sdelay $0x1  }
0x8a: {  	s1 =	srdreg.scid  }
0x8b: {  	s0 =	sand.u32 $0x1, s1  }
0x8c: {  	s14 =	sshll.u32 s0, $0xA;
	s2 =	sadd.s32 s3, s2  }
0x8d: {  	s2 =	sadd.s32 s2, s14  }
0x8e: {  	[smem:$0x3FC2] =	sst s2  }
0x8f: {  	_ = 	snop  }
0x90: {  	s2 =	sld [smem:$0x3FD0];
	_ =	sdelay $0x2  }
0x91: {  	s15 =	simm.s32 $0xA;
	s4 =	simm.s32 $0x10  }
0x92: {  	[smem:s4], [sflag:s15] =	dma.local [hbm:s2], $0x1  }
0x93: {  	_ =	swait.eq [sflag:s15], $0x1  }
0x94: {  	[sflag:s15] =	ssyncset.done $0x0  }
0x95: {  	[sflag:s15] =	ssyncadd.s32 $0xFFFFFFFF  }
0x96: {  	s16 =	sld [smem:$0x12];
	(tm) =	ssettm $0x1  }
0x97: {  	s17 =	sld [smem:$0x3FFB];
	_ =	sdelay $0x3  }
0x98: {  	_ =	strace s17  }
0x99: {  	s3 =	sld [smem:$0x3FFC];
	_ =	sdelay $0x3  }
0x9a: {  	_ =	strace s3  }
0x9b: {  	s3 =	sld [smem:$0x3FFD];
	_ =	sdelay $0x3  }
0x9c: {  	_ =	strace s3  }
0x9d: {  	_ =	strace $0x8FFFFFFF  }
0x9e: {  	s18 =	sld [smem:$0x3FDB];
	_ =	sdelay $0x1  }
0x9f: {  	s19 =	simm.s32 $_scs_section_size  }
0xa0: {  	s5 =	simm.s32 $_size__tile_overlayer_lowered;
	s6 =	simm.s32 $_tile_overlayer_lowered  }
0xa1: {  	s22 =	simm.s32 $0x1BFF;
	s21 =	sshll.u32 s6, $0x1;
	s3 =	sadd.s32 s19, s18  }
0xa2: {  	s7 =	simm.s32 $0x0;
	s20 =	sshll.u32 s5, $0x1;
	s5 =	sadd.s32 s21, s3  }
0xa3: {  	[timem:s7], [sflag:s22] =	dma.local [hbm:s5], s20  }
0xa4: {  	_ =	swait.ge [sflag:s22], s20  }
0xa5: {  	s4 =	ssub.s32 $0x0, s20;
	[sflag:s22] =	ssyncset.done $0x0  }
0xa6: {  	[sflag:s22] =	ssyncadd.s32 s4;
	_ =	sdelay $0x1  }
0xa7: {  	s23 =	simm.s32 $0x1B8B  }
0xa8: {  	_ =	swait.ge [sflag:s23], $0x1  }
0xa9: {  	[sflag:s23] =	ssyncset.done $0x0  }
0xaa: {  	s25 =	simm.s32 $0x1B8E;
	s24 =	sld [smem:$0x3FFE];
	[sflag:s23] =	ssyncadd.s32 $0xFFFFFFFF  }
0xab: {  	s26 =	simm.s32 $execute0_lowered;
	[smem:$0x3FD2] =	sst s25  }
0xac: {  	s5 =	sshll.u32 s26, $0x1;
	_ =	strace $0x80000046;
	[dreg:$0x1] =	wrdreg $0xFFFFFFFF  }
0xad: {  	s28 =	simm.s32 $_size_execute0_lowered;
	s3 =	sadd.s32 s3, s5;
	[dreg:$0x0] =	wrdreg $0x0  }
0xae: {  	s5 =	sshll.u32 s28, $0x1;
	[dreg:$0x2] =	wrdreg s3  }
0xaf: {  	[dreg:$0x3] =	wrdreg s5  }
0xb0: {  	[dreg:$0x4] =	wrdreg $0xC0  }
0xb1: {  	_ =	task [dreg:s7], $0x5FFFF  }
0xb2: {  	[dreg:$0x1] =	wrdreg $0xFFFFFFFF  }
0xb3: {  	[dreg:$0x0] =	wrdreg $0x60  }
0xb4: {  	[dreg:$0x2] =	wrdreg s16  }
0xb5: {  	[dreg:$0x3] =	wrdreg s24  }
0xb6: {  	[dreg:$0x4] =	wrdreg $0x9  }
0xb7: {  	_ =	task.clear_ibuf [dreg:s7], $0x5FFFF;
	_ =	strace $0x90000046  }
0xb8: {  	s29 =	simm.s32 $0x9;
	_ =	strace $0x80000048  }
0xb9: {  	_ =	swait.ge [sflag:s29], $0x1  }
0xba: {  	[sflag:s29] =	ssyncadd.s32 $0xFFFFFFFF  }
0xbb: {  	_ =	strace $0x90000048  }
0xbc: {  	_ =	sfence  }
0xbd: {  	s30 =	sld [smem:$0x0];
	_ =	sdelay $0x2  }
0xbe: {  	s31 =	sshll.u32 s1, $0xD;
	s1 =	sshrl.u32 s1, $0x2  }
0xbf: {  	s3 =	sand.u32 $0x4000, s31;
	s1 =	sadd.s32 s1, s30  }
0xc0: {  	s0 =	sor.u32 s3, s0;
	s1 =	sshll.u32 s1, $0x11  }
0xc1: {  	s0 =	sor.u32 s1, s0  }
0xc2: {  	s0 =	sadd.s32 $0x8F2B, s0  }
0xc3: {  	[sflag:s0] =	ssyncadd.remote.s32 $0x1  }
0xc4: {  	_ =	sfence.sel $0xFFFF  }
0xc5: {  	[dreg:$0x0] =	wrdreg $0xFFFFFFFF;
	(pc) =	sbr.abs _section_cstart, $3  }
0xc6: {  	[dreg:$0x1] =	wrdreg $0xFFFFFFFF  }
0xc7: {  	_ =	task.clear_ibuf [dreg:s7], $0x2FFFF;
	_ =	strace $0x9FFFFFFF  }
0xc8: {  	(tm) =	ssettm $0x7FFFFFFF  }
0xc9: {  	_ =	shalt  }
tec
execute0_lowered:
.L_overlay_start_1:
0x0: {  	(tag) =	ssettag $0x1  }
0x1: {  	s1 =	srdreg.scid  }
0x2: {  	s0 =	stileid.u32;
	s1 =	sand.u32 $0x1, s1  }
0x3: {  	s2 =	rddreg [dreg:$0x0];
	s3 =	sshll.u32 s0, $0x5;
	s4 =	sshll.u32 s1, $0x4  }
0x4: {  	s5 =	rddreg [dreg:$0x1];
	s4 =	sor.u32 s4, s3;
	s3 =	simm.s32 $0x0  }
0x5: {  	s25 =	simm.s32 $0x880;
	[smem:$0x7FF] =	sst s3  }
0x6: {  	s26 =	simm.s32 $0x1080;
	_ =	strace $0x80000047;
	[dreg:$0x5] =	wrdreg s25  }
0x7: {  	s0 =	simm.s32 $0x1880;
	[dreg:$0x6] =	wrdreg s26  }
0x8: {  	s7 =	simm.s32 $0x3080;
	[dreg:$0x7] =	wrdreg s0  }
0x9: {  	s8 =	simm.s32 $0x3880;
	[dreg:$0xa] =	wrdreg s7  }
0xa: {  	s9 =	simm.s32 $0x4080;
	[dreg:$0xb] =	wrdreg s8  }
0xb: {  	s10 =	simm.s32 $0x4880;
	[dreg:$0xc] =	wrdreg s9  }
0xc: {  	s11 =	simm.s32 $0x5080;
	[dreg:$0xd] =	wrdreg s10  }
0xd: {  	s12 =	simm.s32 $0x5880;
	s13 =	simm.s32 $0x6080;
	[dreg:$0xe] =	wrdreg s11  }
0xe: {  	s14 =	simm.s32 $0x6880;
	s15 =	simm.s32 $0x7080;
	[dreg:$0xf] =	wrdreg s12  }
0xf: {  	s16 =	simm.s32 $0x7880;
	s17 =	simm.s32 $0x8080;
	[dreg:$0x10] =	wrdreg s13  }
0x10: {  	s18 =	simm.s32 $0x8880;
	s19 =	simm.s32 $0x9080;
	[dreg:$0x11] =	wrdreg s14  }
0x11: {  	s21 =	simm.s32 $0x9880;
	s22 =	simm.s32 $0xA080;
	[dreg:$0x12] =	wrdreg s15  }
0x12: {  	s23 =	simm.s32 $0xA880;
	s28 =	simm.s32 $0x16080;
	[dreg:$0x13] =	wrdreg s16  }
0x13: {  	s29 =	simm.s32 $0x16880;
	s30 =	simm.s32 $0x17080;
	[dreg:$0x14] =	wrdreg s17  }
0x14: {  	s31 =	simm.s32 $0x17880;
	s1 =	ssub.s32 $0x2, s1;
	[dreg:$0x15] =	wrdreg s18  }
0x15: {  	s20 =	sshrl.u32 s1, $0x1;
	s6 =	smul.u32 $0x300, s4;
	[dreg:$0x16] =	wrdreg s19  }
0x16: {  	s4 =	sadd.s32 s4, s5;
	s1 =	ssub.s32 s1, s20;
	[dreg:$0x17] =	wrdreg s21  }
0x17: {  	s20 =	simm.s32 $0x12880;
	s4 =	sadd.s32 $0xE00, s4;
	[dreg:$0x18] =	wrdreg s22  }
0x18: {  	[dreg:$0x19] =	wrdreg s23;
	s7 =	simm.s32 $0xB080;
	s25 =	simm.s32 $0xC080  }
0x19: {  	s8 =	simm.s32 $0x80;
	s26 =	simm.s32 $0xC880;
	s10 =	simm.s32 $0xD880  }
0x1a: {  	s11 =	simm.s32 $0xE080;
	s12 =	simm.s32 $0xE880;
	s13 =	simm.s32 $0xF080  }
0x1b: {  	s14 =	simm.s32 $0xF880;
	s15 =	simm.s32 $0x10080;
	s16 =	simm.s32 $0x10880  }
0x1c: {  	s17 =	simm.s32 $0x11080;
	s18 =	simm.s32 $0x11880;
	s19 =	simm.s32 $0x12080  }
0x1d: {  	s21 =	simm.s32 $0x13080;
	s22 =	simm.s32 $0x13880;
	[dreg:$0x3] =	wrdreg s4  }
0x1e: {  	s23 =	simm.s32 $0x14080;
	s5 =	sadd.s32 s6, s5;
	[dreg:$0x1a] =	wrdreg s7  }
0x1f: {  	s6 =	simm.s32 $0x2880;
	s4 =	sadd.s32 $0x100, s2;
	[dreg:$0x1c] =	wrdreg s25  }
0x20: {  	s7 =	simm.s32 $0x2;
	[dreg:$0x1d] =	wrdreg s26;
	s25 =	simm.s32 $0x15080  }
0x21: {  	s26 =	simm.s32 $0x15880;
	s24 =	sadd.s32 $0x1000, s5;
	[dreg:$0x9] =	wrdreg s6  }
0x22: {  	v2 =	vlaneseq.u32;
	s5 =	simm.s32 $0x2080;
	s6 =	smax.u32 s1, $0x1;
	[dreg:$0x4] =	wrdreg s24  }
0x23: {  	vm0 =	vmmov $0xffff;
	v1 =	vshrl.u32 v2, $0x3;
	s1 =	simm.s32 $0x1;
	[dreg:$0x8] =	wrdreg s5;
	s24 =	simm.s32 $0xB880  }
0x24: {  	v0 =	vand.u32 $0x7, v2;
	v2 =	vor.u32 $0x8, v2;
	v1 =	vmul.u32 $0x8, v1;
	s5 =	sadd.s32 $0x200, s2;
	[dreg:$0x1b] =	wrdreg s24;
	s24 =	simm.s32 $0x14880  }
.LBB2_1:
0x25: {  	s0 =	rddreg [dreg:$0x3]  }
0x26: {  	[tilespmem:s3], [sflag:$0x2] =	stream.linear.gather [hbm4b:s0+s3], $0x80, $0x38;
	[tilespmem:$0x18080] =	vst v63  }
0x27: {  	_ =	swait.ge [sflag:s7], $0x80  }
0x28: {  	[sflag:s7] =	ssyncset.done $0x0  }
0x29: {  	[sflag:s7] =	ssyncadd.s32 $0xFFFFFF80  }
0x2a: {  	v3 =	vld [tilespmem:$0x0];
	_ =	sdelay $0x4  }
0x2b: {  	v4 =	vshrl.u32 v3, $0x3  }
0x2c: {  	v4 =	vmul.u32 $0x30, v4  }
0x2d: {  	v3 =	vand.u32 $0x7, v3  }
0x2e: {  	v3 =	vor.u32 v3, v4  }
0x2f: {  	v4 =	vperm.xlane v3, v0;
	_ =	sdelay $0x1  }
0x30: {  	v4 =	vadd.s32 v1, v4;
	_ =	sdelay $0x3  }
0x31: {  	v3 =	vperm.xlane v3, v2  }
0x32: {  	[tilespmem:s8], [sflag:$0x1] =	stream.indirect_vreg.gather [hbm4b:s2+s3], $0x80, v4, vm0, $0xb8;
	[tilespmem:$0x18080] =	vst v63  }
0x33: {  	s0 =	rddreg [dreg:$0x5];
	v3 =	vadd.s32 v1, v3  }
0x34: {  	[tilespmem:s0], [sflag:$0x1] =	stream.indirect_vreg.gather [hbm4b:s4+s3], $0x80, v4, vm0, $0xb8;
	[tilespmem:$0x18080] =	vst v63  }
0x35: {  	s9 =	rddreg [dreg:$0x6]  }
0x36: {  	[tilespmem:s9], [sflag:$0x1] =	stream.indirect_vreg.gather [hbm4b:s5+s3], $0x80, v4, vm0, $0xb8;
	[tilespmem:$0x18080] =	vst v63  }
0x37: {  	s0 =	rddreg [dreg:$0x7]  }
0x38: {  	[tilespmem:s0], [sflag:$0x1] =	stream.indirect_vreg.gather [hbm4b:s2+s3], $0x80, v3, vm0, $0xb8;
	[tilespmem:$0x18080] =	vst v63  }
0x39: {  	s9 =	rddreg [dreg:$0x8]  }
0x3a: {  	[tilespmem:s9], [sflag:$0x1] =	stream.indirect_vreg.gather [hbm4b:s4+s3], $0x80, v3, vm0, $0xb8;
	[tilespmem:$0x18080] =	vst v63  }
0x3b: {  	s0 =	rddreg [dreg:$0x9]  }
0x3c: {  	[tilespmem:s0], [sflag:$0x1] =	stream.indirect_vreg.gather [hbm4b:s5+s3], $0x80, v3, vm0, $0xb8;
	[tilespmem:$0x18080] =	vst v63  }
0x3d: {  	v3 =	vld [tilespmem:$0x10];
	_ =	sdelay $0x4  }
0x3e: {  	v57 =	vshrl.u32 v3, $0x3  }
0x3f: {  	v4 =	vmul.u32 $0x30, v57  }
0x40: {  	v3 =	vand.u32 $0x7, v3  }
0x41: {  	v3 =	vor.u32 v3, v4  }
0x42: {  	v4 =	vperm.xlane v3, v0;
	_ =	sdelay $0x1  }
0x43: {  	v4 =	vadd.s32 v1, v4;
	_ =	sdelay $0x3  }
0x44: {  	s0 =	rddreg [dreg:$0xa];
	v3 =	vperm.xlane v3, v2  }
0x45: {  	[tilespmem:s0], [sflag:$0x1] =	stream.indirect_vreg.gather [hbm4b:s2+s3], $0x80, v4, vm0, $0xb8;
	[tilespmem:$0x18080] =	vst v63  }
0x46: {  	s9 =	rddreg [dreg:$0xb];
	v3 =	vadd.s32 v1, v3  }
0x47: {  	[tilespmem:s9], [sflag:$0x1] =	stream.indirect_vreg.gather [hbm4b:s4+s3], $0x80, v4, vm0, $0xb8;
	[tilespmem:$0x18080] =	vst v63  }
0x48: {  	s0 =	rddreg [dreg:$0xc]  }
0x49: {  	[tilespmem:s0], [sflag:$0x1] =	stream.indirect_vreg.gather [hbm4b:s5+s3], $0x80, v4, vm0, $0xb8;
	[tilespmem:$0x18080] =	vst v63  }
0x4a: {  	s9 =	rddreg [dreg:$0xd]  }
0x4b: {  	[tilespmem:s9], [sflag:$0x1] =	stream.indirect_vreg.gather [hbm4b:s2+s3], $0x80, v3, vm0, $0xb8;
	[tilespmem:$0x18080] =	vst v63  }
0x4c: {  	s0 =	rddreg [dreg:$0xe]  }
0x4d: {  	[tilespmem:s0], [sflag:$0x1] =	stream.indirect_vreg.gather [hbm4b:s4+s3], $0x80, v3, vm0, $0xb8;
	[tilespmem:$0x18080] =	vst v63  }
0x4e: {  	s9 =	rddreg [dreg:$0xf]  }
0x4f: {  	[tilespmem:s9], [sflag:$0x1] =	stream.indirect_vreg.gather [hbm4b:s5+s3], $0x80, v3, vm0, $0xb8;
	[tilespmem:$0x18080] =	vst v63  }
0x50: {  	v3 =	vld [tilespmem:$0x20];
	_ =	sdelay $0x4  }
0x51: {  	v58 =	vshrl.u32 v3, $0x3  }
0x52: {  	v4 =	vmul.u32 $0x30, v58  }
0x53: {  	v3 =	vand.u32 $0x7, v3  }
0x54: {  	v3 =	vor.u32 v3, v4  }
0x55: {  	v4 =	vperm.xlane v3, v0;
	_ =	sdelay $0x1  }
0x56: {  	v4 =	vadd.s32 v1, v4;
	_ =	sdelay $0x3  }
0x57: {  	s0 =	rddreg [dreg:$0x10];
	v3 =	vperm.xlane v3, v2  }
0x58: {  	[tilespmem:s0], [sflag:$0x1] =	stream.indirect_vreg.gather [hbm4b:s2+s3], $0x80, v4, vm0, $0xb8;
	[tilespmem:$0x18080] =	vst v63  }
0x59: {  	s9 =	rddreg [dreg:$0x11];
	v3 =	vadd.s32 v1, v3  }
0x5a: {  	[tilespmem:s9], [sflag:$0x1] =	stream.indirect_vreg.gather [hbm4b:s4+s3], $0x80, v4, vm0, $0xb8;
	[tilespmem:$0x18080] =	vst v63  }
0x5b: {  	s0 =	rddreg [dreg:$0x12]  }
0x5c: {  	[tilespmem:s0], [sflag:$0x1] =	stream.indirect_vreg.gather [hbm4b:s5+s3], $0x80, v4, vm0, $0xb8;
	[tilespmem:$0x18080] =	vst v63  }
0x5d: {  	s9 =	rddreg [dreg:$0x13]  }
0x5e: {  	[tilespmem:s9], [sflag:$0x1] =	stream.indirect_vreg.gather [hbm4b:s2+s3], $0x80, v3, vm0, $0xb8;
	[tilespmem:$0x18080] =	vst v63  }
0x5f: {  	s0 =	rddreg [dreg:$0x14]  }
0x60: {  	[tilespmem:s0], [sflag:$0x1] =	stream.indirect_vreg.gather [hbm4b:s4+s3], $0x80, v3, vm0, $0xb8;
	[tilespmem:$0x18080] =	vst v63  }
0x61: {  	s9 =	rddreg [dreg:$0x15]  }
0x62: {  	[tilespmem:s9], [sflag:$0x1] =	stream.indirect_vreg.gather [hbm4b:s5+s3], $0x80, v3, vm0, $0xb8;
	[tilespmem:$0x18080] =	vst v63  }
0x63: {  	v3 =	vld [tilespmem:$0x30];
	_ =	sdelay $0x4  }
0x64: {  	v59 =	vshrl.u32 v3, $0x3  }
0x65: {  	v4 =	vmul.u32 $0x30, v59  }
0x66: {  	v3 =	vand.u32 $0x7, v3  }
0x67: {  	v3 =	vor.u32 v3, v4  }
0x68: {  	v4 =	vperm.xlane v3, v0;
	_ =	sdelay $0x1  }
0x69: {  	v4 =	vadd.s32 v1, v4;
	_ =	sdelay $0x3  }
0x6a: {  	s0 =	rddreg [dreg:$0x16];
	v3 =	vperm.xlane v3, v2  }
0x6b: {  	[tilespmem:s0], [sflag:$0x1] =	stream.indirect_vreg.gather [hbm4b:s2+s3], $0x80, v4, vm0, $0xb8;
	[tilespmem:$0x18080] =	vst v63  }
0x6c: {  	s9 =	rddreg [dreg:$0x17];
	v3 =	vadd.s32 v1, v3  }
0x6d: {  	[tilespmem:s9], [sflag:$0x1] =	stream.indirect_vreg.gather [hbm4b:s4+s3], $0x80, v4, vm0, $0xb8;
	[tilespmem:$0x18080] =	vst v63  }
0x6e: {  	s0 =	rddreg [dreg:$0x18]  }
0x6f: {  	[tilespmem:s0], [sflag:$0x1] =	stream.indirect_vreg.gather [hbm4b:s5+s3], $0x80, v4, vm0, $0xb8;
	[tilespmem:$0x18080] =	vst v63  }
0x70: {  	s9 =	rddreg [dreg:$0x19]  }
0x71: {  	[tilespmem:s9], [sflag:$0x1] =	stream.indirect_vreg.gather [hbm4b:s2+s3], $0x80, v3, vm0, $0xb8;
	[tilespmem:$0x18080] =	vst v63  }
0x72: {  	s0 =	rddreg [dreg:$0x1a]  }
0x73: {  	[tilespmem:s0], [sflag:$0x1] =	stream.indirect_vreg.gather [hbm4b:s4+s3], $0x80, v3, vm0, $0xb8;
	[tilespmem:$0x18080] =	vst v63  }
0x74: {  	s9 =	rddreg [dreg:$0x1b]  }
0x75: {  	[tilespmem:s9], [sflag:$0x1] =	stream.indirect_vreg.gather [hbm4b:s5+s3], $0x80, v3, vm0, $0xb8;
	[tilespmem:$0x18080] =	vst v63  }
0x76: {  	v3 =	vld [tilespmem:$0x40];
	_ =	sdelay $0x4  }
0x77: {  	v60 =	vshrl.u32 v3, $0x3  }
0x78: {  	v4 =	vmul.u32 $0x30, v60  }
0x79: {  	v3 =	vand.u32 $0x7, v3  }
0x7a: {  	v3 =	vor.u32 v3, v4  }
0x7b: {  	v4 =	vperm.xlane v3, v0;
	_ =	sdelay $0x1  }
0x7c: {  	v4 =	vadd.s32 v1, v4;
	_ =	sdelay $0x3  }
0x7d: {  	s0 =	rddreg [dreg:$0x1c];
	v3 =	vperm.xlane v3, v2  }
0x7e: {  	[tilespmem:s0], [sflag:$0x1] =	stream.indirect_vreg.gather [hbm4b:s2+s3], $0x80, v4, vm0, $0xb8;
	[tilespmem:$0x18080] =	vst v63  }
0x7f: {  	s9 =	rddreg [dreg:$0x1d];
	v3 =	vadd.s32 v1, v3  }
0x80: {  	[tilespmem:s9], [sflag:$0x1] =	stream.indirect_vreg.gather [hbm4b:s4+s3], $0x80, v4, vm0, $0xb8;
	[tilespmem:$0x18080] =	vst v63  }
0x81: {  	s9 =	simm.s32 $0xD080  }
0x82: {  	[tilespmem:s9], [sflag:$0x1] =	stream.indirect_vreg.gather [hbm4b:s5+s3], $0x80, v4, vm0, $0xb8;
	[tilespmem:$0x18080] =	vst v63  }
0x83: {  	_ = 	snop  }
0x84: {  	[tilespmem:s10], [sflag:$0x1] =	stream.indirect_vreg.gather [hbm4b:s2+s3], $0x80, v3, vm0, $0xb8;
	[tilespmem:$0x18080] =	vst v63  }
0x85: {  	_ = 	snop  }
0x86: {  	[tilespmem:s11], [sflag:$0x1] =	stream.indirect_vreg.gather [hbm4b:s4+s3], $0x80, v3, vm0, $0xb8;
	[tilespmem:$0x18080] =	vst v63  }
0x87: {  	_ = 	snop  }
0x88: {  	[tilespmem:s12], [sflag:$0x1] =	stream.indirect_vreg.gather [hbm4b:s5+s3], $0x80, v3, vm0, $0xb8;
	[tilespmem:$0x18080] =	vst v63  }
0x89: {  	v3 =	vld [tilespmem:$0x50];
	_ =	sdelay $0x4  }
0x8a: {  	v61 =	vshrl.u32 v3, $0x3  }
0x8b: {  	v4 =	vmul.u32 $0x30, v61  }
0x8c: {  	v3 =	vand.u32 $0x7, v3  }
0x8d: {  	v3 =	vor.u32 v3, v4  }
0x8e: {  	v4 =	vperm.xlane v3, v0;
	_ =	sdelay $0x1  }
0x8f: {  	v4 =	vadd.s32 v1, v4;
	_ =	sdelay $0x3  }
0x90: {  	v3 =	vperm.xlane v3, v2  }
0x91: {  	[tilespmem:s13], [sflag:$0x1] =	stream.indirect_vreg.gather [hbm4b:s2+s3], $0x80, v4, vm0, $0xb8;
	[tilespmem:$0x18080] =	vst v63  }
0x92: {  	v3 =	vadd.s32 v1, v3  }
0x93: {  	[tilespmem:s14], [sflag:$0x1] =	stream.indirect_vreg.gather [hbm4b:s4+s3], $0x80, v4, vm0, $0xb8;
	[tilespmem:$0x18080] =	vst v63  }
0x94: {  	_ = 	snop  }
0x95: {  	[tilespmem:s15], [sflag:$0x1] =	stream.indirect_vreg.gather [hbm4b:s5+s3], $0x80, v4, vm0, $0xb8;
	[tilespmem:$0x18080] =	vst v63  }
0x96: {  	_ = 	snop  }
0x97: {  	[tilespmem:s16], [sflag:$0x1] =	stream.indirect_vreg.gather [hbm4b:s2+s3], $0x80, v3, vm0, $0xb8;
	[tilespmem:$0x18080] =	vst v63  }
0x98: {  	_ = 	snop  }
0x99: {  	[tilespmem:s17], [sflag:$0x1] =	stream.indirect_vreg.gather [hbm4b:s4+s3], $0x80, v3, vm0, $0xb8;
	[tilespmem:$0x18080] =	vst v63  }
0x9a: {  	_ = 	snop  }
0x9b: {  	[tilespmem:s18], [sflag:$0x1] =	stream.indirect_vreg.gather [hbm4b:s5+s3], $0x80, v3, vm0, $0xb8;
	[tilespmem:$0x18080] =	vst v63  }
0x9c: {  	v3 =	vld [tilespmem:$0x60];
	_ =	sdelay $0x4  }
0x9d: {  	v62 =	vshrl.u32 v3, $0x3  }
0x9e: {  	v4 =	vmul.u32 $0x30, v62  }
0x9f: {  	v3 =	vand.u32 $0x7, v3  }
0xa0: {  	v3 =	vor.u32 v3, v4  }
0xa1: {  	v4 =	vperm.xlane v3, v0;
	_ =	sdelay $0x1  }
0xa2: {  	v4 =	vadd.s32 v1, v4;
	_ =	sdelay $0x3  }
0xa3: {  	v3 =	vperm.xlane v3, v2  }
0xa4: {  	[tilespmem:s19], [sflag:$0x1] =	stream.indirect_vreg.gather [hbm4b:s2+s3], $0x80, v4, vm0, $0xb8;
	[tilespmem:$0x18080] =	vst v63  }
0xa5: {  	v3 =	vadd.s32 v1, v3  }
0xa6: {  	[tilespmem:s20], [sflag:$0x1] =	stream.indirect_vreg.gather [hbm4b:s4+s3], $0x80, v4, vm0, $0xb8;
	[tilespmem:$0x18080] =	vst v63  }
0xa7: {  	_ = 	snop  }
0xa8: {  	[tilespmem:s21], [sflag:$0x1] =	stream.indirect_vreg.gather [hbm4b:s5+s3], $0x80, v4, vm0, $0xb8;
	[tilespmem:$0x18080] =	vst v63  }
0xa9: {  	_ = 	snop  }
0xaa: {  	[tilespmem:s22], [sflag:$0x1] =	stream.indirect_vreg.gather [hbm4b:s2+s3], $0x80, v3, vm0, $0xb8;
	[tilespmem:$0x18080] =	vst v63  }
0xab: {  	_ = 	snop  }
0xac: {  	[tilespmem:s23], [sflag:$0x1] =	stream.indirect_vreg.gather [hbm4b:s4+s3], $0x80, v3, vm0, $0xb8;
	[tilespmem:$0x18080] =	vst v63  }
0xad: {  	_ = 	snop  }
0xae: {  	[tilespmem:s24], [sflag:$0x1] =	stream.indirect_vreg.gather [hbm4b:s5+s3], $0x80, v3, vm0, $0xb8;
	[tilespmem:$0x18080] =	vst v63  }
0xaf: {  	v3 =	vld [tilespmem:$0x70];
	_ =	sdelay $0x4  }
0xb0: {  	v63 =	vshrl.u32 v3, $0x3  }
0xb1: {  	v4 =	vmul.u32 $0x30, v63  }
0xb2: {  	v3 =	vand.u32 $0x7, v3  }
0xb3: {  	v3 =	vor.u32 v3, v4  }
0xb4: {  	v4 =	vperm.xlane v3, v0;
	_ =	sdelay $0x1  }
0xb5: {  	v4 =	vadd.s32 v1, v4;
	_ =	sdelay $0x3  }
0xb6: {  	v3 =	vperm.xlane v3, v2  }
0xb7: {  	[tilespmem:s25], [sflag:$0x1] =	stream.indirect_vreg.gather [hbm4b:s2+s3], $0x80, v4, vm0, $0xb8;
	[tilespmem:$0x18080] =	vst v63  }
0xb8: {  	v3 =	vadd.s32 v1, v3  }
0xb9: {  	[tilespmem:s26], [sflag:$0x1] =	stream.indirect_vreg.gather [hbm4b:s4+s3], $0x80, v4, vm0, $0xb8;
	[tilespmem:$0x18080] =	vst v63  }
0xba: {  	_ = 	snop  }
0xbb: {  	[tilespmem:s28], [sflag:$0x1] =	stream.indirect_vreg.gather [hbm4b:s5+s3], $0x80, v4, vm0, $0xb8;
	[tilespmem:$0x18080] =	vst v63  }
0xbc: {  	_ = 	snop  }
0xbd: {  	[tilespmem:s29], [sflag:$0x1] =	stream.indirect_vreg.gather [hbm4b:s2+s3], $0x80, v3, vm0, $0xb8;
	[tilespmem:$0x18080] =	vst v63  }
0xbe: {  	_ = 	snop  }
0xbf: {  	[tilespmem:s30], [sflag:$0x1] =	stream.indirect_vreg.gather [hbm4b:s4+s3], $0x80, v3, vm0, $0xb8;
	[tilespmem:$0x18080] =	vst v63  }
0xc0: {  	_ = 	snop  }
0xc1: {  	[tilespmem:s31], [sflag:$0x1] =	stream.indirect_vreg.gather [hbm4b:s5+s3], $0x80, v3, vm0, $0xb8;
	[tilespmem:$0x18080] =	vst v63  }
0xc2: {  	_ =	swait.ge [sflag:s1], $0x18000  }
0xc3: {  	p0 =	sne.s32 s6, $0x1;
	[sflag:s1] =	ssyncset.done $0x0  }
.Ltmp0:
0xc4: {  	s9 =	rddreg [dreg:$0x4];
	[sflag:s1] =	ssyncadd.s32 $0xFFFE8000;
	(pc) =	sbr.rel @p0 .LBB2_1-.Ltmp0, $4  }
0xc5: {  	[hbm4b:s9+s3] =	stream.linear.scatter [tilespmem:s8], [sflag:$0x2], $0x18000, $0x38;
	[tilespmem:$0x18080] =	vst v63  }
0xc6: {  	_ =	swait.ge [sflag:s7], $0x18000  }
0xc7: {  	[sflag:s7] =	ssyncset.done $0x0  }
0xc8: {  	s6 =	sadd.s32 $0xFFFFFFFF, s6;
	[sflag:s7] =	ssyncadd.s32 $0xFFFE8000  }
0xc9: {  	_ =	sfence.sel $0x180000  }
0xca: {  	[bflag:$0x0] =	sbarrier.arrive $0xFFFF  }
0xcb: {  	_ =	strace $0x90000047  }
0xcc: {  	s0 =	stileid.u32;
	[bflag:$0x2] =	sbarrier.arrive $0xFFFF  }
0xcd: {  	p0 =	sne.s32 s0, $0x0;
	s0 =	rddreg [dreg:$0x2]  }
0xce: {  	s0 =	sadd.s32 @!p0 $0x100000, s0  }
0xcf: {  	[sflag:s0] =	ssyncadd.tile.s32 @!p0 $0x1;
	_ =	shalt  }
.Lfunc_end2:
_tile_overlayer_lowered:
.L_overlay_start_2:
0xd0: {  	(tag) =	ssettag $0x2  }
0xd1: {  	s0 =	rddreg [dreg:$0x0];
	s2 =	stileid.u32  }
0xd2: {  	s1 =	rddreg [dreg:$0x1];
	p0 =	sne.s32 s2, $0x0  }
0xd3: {  	s3 =	rddreg [dreg:$0x2];
	[bflag:$0x3] =	sbarrier.arrive $0xFFFF;
	s2 =	simm.s32 @!p0 $0x1C02  }
0xd4: {  	[timem:s3], [sflag:s2] =	dma.local @!p0 [hbm:s0], s1  }
0xd5: {  	s0 =	simm.s32 @!p0 $0x2  }
0xd6: {  	_ =	swait.ge @!p0 [sflag:s0], s1  }
0xd7: {  	s1 =	ssub.s32 @!p0 $0x0, s1;
	[sflag:s0] =	ssyncset.done @!p0 $0x0  }
0xd8: {  	[sflag:s0] =	ssyncadd.s32 @!p0 s1  }
0xd9: {  	[bflag:$0x3] =	sbarrier.arrive $0xFFFF  }
0xda: {  	_ =	shalt  }

// kernel: kernel.15.cloned.1.call-start
scs
__scs_entry_jumppad:
0x0: {  	(pc) =	sbr.rel $0x88, $3  }
0x1: {  	(tag) =	ssettag $0x0;
	lr =	simm.s32 $0x1  }
0x2: {  	[smem:$0x3F9B] =	sst lr;
	_ =	strace $0xD0000000  }
0x3: {  	_ = 	snop  }
0x4: {  	_ = 	snop  }
0x5: {  	_ = 	snop  }
0x6: {  	_ = 	snop  }
0x7: {  	_ = 	snop  }
__scs_overlays_trampoline_lowered:
0x8: {  	[smem:$0x3FAA] =	sst s0  }
0x9: {  	[smem:$0x3FAB] =	sst s1  }
0xa: {  	[smem:$0x3FAC] =	sst s2  }
0xb: {  	[smem:$0x3FAD] =	sst s3  }
0xc: {  	[smem:$0x3FAE] =	sst s4  }
0xd: {  	[smem:$0x3FAF] =	sst s5  }
0xe: {  	[smem:$0x3FB0] =	sst s6  }
0xf: {  	[smem:$0x3FB1] =	sst s7  }
0x10: {  	[smem:$0x3FB2] =	sst s8  }
0x11: {  	[smem:$0x3FB3] =	sst s9;
	s0 =	simm.s32 @!p0 $0x0  }
0x12: {  	s1 =	sld [smem:$0x3F99];
	s0 =	simm.s32 @p0 $0x1  }
0x13: {  	[smem:$0x3FB4] =	sst s0;
	s0 =	simm.s32 @!p1 $0x0  }
0x14: {  	s2 =	sld [smem:$0x3F98];
	s0 =	simm.s32 @p1 $0x1  }
0x15: {  	[smem:$0x3FB5] =	sst s0;
	s0 =	simm.s32 @!p2 $0x0  }
0x16: {  	s3 =	sld [smem:$0x3FDB];
	s0 =	simm.s32 @p2 $0x1  }
0x17: {  	s4 =	simm.s32 $0x1BF5;
	[smem:$0x3FB7] =	sst s0  }
0x18: {  	s0 =	sld [smem:$0x3F9A];
	_ =	swait.ge [sflag:s4], $0x0  }
0x19: {  	s7 =	sld [smem:$0x3F9B]  }
0x1a: {  	s8 =	sadd.s32 $0xFFFFE003, lr  }
0x1b: {  	s9 =	sadd.s32 $0xFFFFFEF7, lr;
	s5 =	simm.s32 $0xFFFFFFFF;
	p2 =	slt.u32 s8, $0xFFFFF086  }
0x1c: {  	p1 =	slt.u32 s9, $0xF7A;
	s5 =	simm.s32 @!p2 $0x0  }
0x1d: {  	s5 =	simm.s32 @p1 $0x1;
	p0 =	seq.s32 s7, s2  }
0x1e: {  	s7 =	smul.u32 @!p0 $0xF7A, s2;
	p2 =	seq.s32 @!p0 s5, $0x0  }
0x1f: {  	s9 =	smul.u32 $0xF7A, s1;
	s8 =	simm.s32 @!p0 $0x1BF5;
	p2 =	por !p2, p0  }
0x20: {  	[sflag:s8] =	ssyncset.s32 @!p0 $0xFFFFF086;
	s6 =	sadd.s32 @!p0 s3, s7;
	s7 =	simm.s32 @!p0 $0x108  }
0x21: {  	s3 =	sadd.s32 s3, s9;
	s6 =	sadd.s32 @!p0 $0x88, s6;
	s7 =	simm.s32 @p2 $0x1082  }
0x22: {  	[simem:s7], [sflag:s8] =	dma.local @!p0 [hbm:s6], $0xF7A  }
0x23: {  	s9 =	sor.u32 $0xD0000000, s2;
	s6 =	simm.s32 $0x108;
	_ =	swait.ge @!p0 [sflag:s8], $0x0  }
0x24: {  	s3 =	sadd.s32 $0x88, s3;
	s6 =	simm.s32 @!p1 $0x1082;
	[sflag:s4] =	ssyncset.s32 $0xFFFFF086  }
0x25: {  	[simem:s6], [sflag:s4] =	dma.local [hbm:s3], $0xF7A  }
0x26: {  	[smem:$0x3F9B] =	sst s1;
	(tag) =	ssettag s2;
	_ =	strace s9  }
0x27: {  	s1 =	sld [smem:$0x3FAB]  }
0x28: {  	s2 =	sld [smem:$0x3FAC]  }
0x29: {  	s4 =	sld [smem:$0x3FAE]  }
0x2a: {  	p0 =	seq.s32 s5, $0x0;
	s5 =	sld [smem:$0x3FAF]  }
0x2b: {  	s6 =	sld [smem:$0x3FB0]  }
0x2c: {  	s7 =	sld [smem:$0x3FB1]  }
0x2d: {  	s3 =	simm.s32 $0x108;
	s8 =	sld [smem:$0x3FB2]  }
0x2e: {  	s3 =	simm.s32 @!p0 $0x1082;
	s9 =	sld [smem:$0x3FB3]  }
0x2f: {  	lr =	sadd.s32 s0, s3;
	s0 =	sld [smem:$0x3FAA]  }
0x30: {  	s3 =	sld [smem:$0x3FAD]  }
0x31: {  	[smem:$0x3FB6] =	sst s10  }
0x32: {  	s10 =	sld [smem:$0x3FB4];
	_ =	sdelay $0x3  }
0x33: {  	p0 =	seq.s32 s10, $0x1;
	s10 =	sld [smem:$0x3FB6];
	_ =	sdelay $0x3  }
0x34: {  	[smem:$0x3FB6] =	sst s10  }
0x35: {  	s10 =	sld [smem:$0x3FB5];
	_ =	sdelay $0x3  }
0x36: {  	p1 =	seq.s32 s10, $0x1;
	s10 =	sld [smem:$0x3FB6];
	_ =	sdelay $0x3  }
0x37: {  	[smem:$0x3FB6] =	sst s10  }
0x38: {  	s10 =	sld [smem:$0x3FB7]  }
0x39: {  	_ = 	snop;
	(pc) =	sbr.ind lr, $3  }
0x3a: {  	_ = 	snop  }
0x3b: {  	_ = 	snop  }
0x3c: {  	p2 =	seq.s32 s10, $0x1;
	s10 =	sld [smem:$0x3FB6]  }
0x3d: {  	_ =	shalt  }
0x3e: {  	_ =	shalt  }
0x3f: {  	_ =	shalt  }
0x40: {  	_ =	shalt  }
0x41: {  	_ =	shalt  }
0x42: {  	_ =	shalt  }
0x43: {  	_ =	shalt  }
0x44: {  	_ =	shalt  }
0x45: {  	_ =	shalt  }
0x46: {  	_ =	shalt  }
0x47: {  	_ =	shalt  }
0x48: {  	_ =	shalt  }
0x49: {  	_ =	shalt  }
0x4a: {  	_ =	shalt  }
0x4b: {  	_ =	shalt  }
0x4c: {  	_ =	shalt  }
0x4d: {  	_ =	shalt  }
0x4e: {  	_ =	shalt  }
0x4f: {  	_ =	shalt  }
0x50: {  	_ =	shalt  }
0x51: {  	_ =	shalt  }
0x52: {  	_ =	shalt  }
0x53: {  	_ =	shalt  }
0x54: {  	_ =	shalt  }
0x55: {  	_ =	shalt  }
0x56: {  	_ =	shalt  }
0x57: {  	_ =	shalt  }
0x58: {  	_ =	shalt  }
0x59: {  	_ =	shalt  }
0x5a: {  	_ =	shalt  }
0x5b: {  	_ =	shalt  }
0x5c: {  	_ =	shalt  }
0x5d: {  	_ =	shalt  }
0x5e: {  	_ =	shalt  }
0x5f: {  	_ =	shalt  }
0x60: {  	_ =	shalt  }
0x61: {  	_ =	shalt  }
0x62: {  	_ =	shalt  }
0x63: {  	_ =	shalt  }
0x64: {  	_ =	shalt  }
0x65: {  	_ =	shalt  }
0x66: {  	_ =	shalt  }
0x67: {  	_ =	shalt  }
0x68: {  	_ =	shalt  }
0x69: {  	_ =	shalt  }
0x6a: {  	_ =	shalt  }
0x6b: {  	_ =	shalt  }
0x6c: {  	_ =	shalt  }
0x6d: {  	_ =	shalt  }
0x6e: {  	_ =	shalt  }
0x6f: {  	_ =	shalt  }
0x70: {  	_ =	shalt  }
0x71: {  	_ =	shalt  }
0x72: {  	_ =	shalt  }
0x73: {  	_ =	shalt  }
0x74: {  	_ =	shalt  }
0x75: {  	_ =	shalt  }
0x76: {  	_ =	shalt  }
0x77: {  	_ =	shalt  }
0x78: {  	_ =	shalt  }
0x79: {  	_ =	shalt  }
0x7a: {  	_ =	shalt  }
0x7b: {  	_ =	shalt  }
0x7c: {  	_ =	shalt  }
0x7d: {  	_ =	shalt  }
0x7e: {  	_ =	shalt  }
0x7f: {  	_ =	shalt  }
0x80: {  	_ =	shalt  }
0x81: {  	_ =	shalt  }
0x82: {  	_ =	shalt  }
0x83: {  	_ =	shalt  }
0x84: {  	_ =	shalt  }
0x85: {  	_ =	shalt  }
0x86: {  	_ =	shalt  }
0x87: {  	_ =	shalt  }
.Lfunc_end0:
.L_simem_size_0:
called_computation.1_lowered:
.L_overlay_start_0:
0x88: {  	s2 =	sld [smem:$0x3FD9]  }
0x89: {  	s3 =	sld [smem:$0x3FFE];
	_ =	sdelay $0x1  }
0x8a: {  	s1 =	srdreg.scid  }
0x8b: {  	s0 =	sand.u32 $0x1, s1  }
0x8c: {  	s16 =	sshll.u32 s0, $0xA;
	s2 =	sadd.s32 s3, s2  }
0x8d: {  	s2 =	sadd.s32 s2, s16  }
0x8e: {  	[smem:$0x3FC2] =	sst s2  }
0x8f: {  	_ = 	snop  }
0x90: {  	(tm) =	ssettm $0x1  }
0x91: {  	s17 =	sld [smem:$0x3FFB];
	_ =	sdelay $0x3  }
0x92: {  	_ =	strace s17  }
0x93: {  	s2 =	sld [smem:$0x3FFC];
	_ =	sdelay $0x3  }
0x94: {  	_ =	strace s2  }
0x95: {  	s2 =	sld [smem:$0x3FFD];
	_ =	sdelay $0x3  }
0x96: {  	_ =	strace s2  }
0x97: {  	_ =	strace $0x8FFFFFFF  }
0x98: {  	s18 =	sld [smem:$0x3FDB];
	_ =	sdelay $0x1  }
0x99: {  	s19 =	simm.s32 $_scs_section_size  }
0x9a: {  	s4 =	simm.s32 $_size__tile_overlayer_lowered;
	s5 =	simm.s32 $_tile_overlayer_lowered  }
0x9b: {  	s22 =	simm.s32 $0x1BFF;
	s21 =	sshll.u32 s5, $0x1;
	s2 =	sadd.s32 s19, s18  }
0x9c: {  	s6 =	simm.s32 $0x0;
	s20 =	sshll.u32 s4, $0x1;
	s4 =	sadd.s32 s21, s2  }
0x9d: {  	[timem:s6], [sflag:s22] =	dma.local [hbm:s4], s20  }
0x9e: {  	_ =	swait.ge [sflag:s22], s20  }
0x9f: {  	s3 =	ssub.s32 $0x0, s20;
	[sflag:s22] =	ssyncset.done $0x0  }
0xa0: {  	[sflag:s22] =	ssyncadd.s32 s3;
	_ =	sdelay $0x1  }
0xa1: {  	s23 =	simm.s32 $0x1B8B  }
0xa2: {  	_ =	swait.ge [sflag:s23], $0x1  }
0xa3: {  	[sflag:s23] =	ssyncset.done $0x0  }
0xa4: {  	s25 =	simm.s32 $0x1B8E;
	s24 =	sld [smem:$0x3FFE];
	[sflag:s23] =	ssyncadd.s32 $0xFFFFFFFF  }
0xa5: {  	s26 =	simm.s32 $execute0_lowered;
	[smem:$0x3FD2] =	sst s25  }
0xa6: {  	s4 =	sshll.u32 s26, $0x1;
	_ =	strace $0x80000049;
	[dreg:$0x1] =	wrdreg $0xFFFFFFFF  }
0xa7: {  	s28 =	simm.s32 $_size_execute0_lowered;
	s2 =	sadd.s32 s2, s4;
	[dreg:$0x0] =	wrdreg $0x0  }
0xa8: {  	s4 =	sshll.u32 s28, $0x1;
	[dreg:$0x2] =	wrdreg s2  }
0xa9: {  	[dreg:$0x3] =	wrdreg s4  }
0xaa: {  	[dreg:$0x4] =	wrdreg $0xC0  }
0xab: {  	_ =	task [dreg:s6], $0x5FFFF  }
0xac: {  	[dreg:$0x1] =	wrdreg $0xFFFFFFFF  }
0xad: {  	[dreg:$0x0] =	wrdreg $0x60  }
0xae: {  	[dreg:$0x2] =	wrdreg s24  }
0xaf: {  	[dreg:$0x3] =	wrdreg $0x9  }
0xb0: {  	_ =	task.clear_ibuf [dreg:s6], $0x4FFFF;
	_ =	strace $0x90000049  }
0xb1: {  	s29 =	simm.s32 $0x9;
	_ =	strace $0x8000004B  }
0xb2: {  	_ =	swait.ge [sflag:s29], $0x1  }
0xb3: {  	[sflag:s29] =	ssyncadd.s32 $0xFFFFFFFF  }
0xb4: {  	_ =	strace $0x9000004B  }
0xb5: {  	_ =	sfence  }
0xb6: {  	s30 =	sld [smem:$0x0];
	_ =	sdelay $0x2  }
0xb7: {  	s31 =	sshll.u32 s1, $0xD;
	s1 =	sshrl.u32 s1, $0x2  }
0xb8: {  	s3 =	sand.u32 $0x4000, s31;
	s1 =	sadd.s32 s1, s30  }
0xb9: {  	s0 =	sor.u32 s3, s0;
	s1 =	sshll.u32 s1, $0x11  }
0xba: {  	s0 =	sor.u32 s1, s0  }
0xbb: {  	s0 =	sadd.s32 $0x8F2B, s0  }
0xbc: {  	[sflag:s0] =	ssyncadd.remote.s32 $0x1  }
0xbd: {  	_ =	sfence.sel $0xFFFF  }
0xbe: {  	[dreg:$0x0] =	wrdreg $0xFFFFFFFF;
	(pc) =	sbr.abs _section_cstart, $3  }
0xbf: {  	[dreg:$0x1] =	wrdreg $0xFFFFFFFF  }
0xc0: {  	_ =	task.clear_ibuf [dreg:s6], $0x2FFFF;
	_ =	strace $0x9FFFFFFF  }
0xc1: {  	(tm) =	ssettm $0x7FFFFFFF  }
tec
execute0_lowered:
.L_overlay_start_1:
0x0: {  	(tag) =	ssettag $0x1  }
0x1: {  	s0 =	rddreg [dreg:$0x0]  }
0x2: {  	s1 =	srdreg.scid;
	s3 =	stileid.u32;
	s2 =	simm.s32 $0x0  }
0x3: {  	s22 =	simm.s32 $0x2;
	s29 =	simm.s32 $0x880;
	s30 =	simm.s32 $0x1080  }
0x4: {  	s31 =	simm.s32 $0x1880;
	s24 =	simm.s32 $0x3080;
	s25 =	simm.s32 $0x3880  }
0x5: {  	s23 =	simm.s32 $0x4080;
	[smem:$0x7FF] =	sst s2;
	s5 =	sadd.s32 $0x391000, s0  }
0x6: {  	s26 =	simm.s32 $0x1;
	s8 =	sadd.s32 $0x211300, s0;
	s9 =	sadd.s32 $0x211400, s0  }
0x7: {  	s1 =	sand.u32 $0x1, s1;
	s10 =	sadd.s32 $0x211500, s0;
	s12 =	sadd.s32 $0x2D1200, s0  }
0x8: {  	s3 =	sshll.u32 s3, $0x4;
	s14 =	sadd.s32 $0x2D1400, s0;
	s15 =	sadd.s32 $0x2D1500, s0  }
0x9: {  	s17 =	sadd.s32 $0x391200, s0;
	s20 =	sadd.s32 $0x391500, s0;
	s4 =	sshll.u32 s1, $0x3  }
0xa: {  	_ =	strace $0x8000004A;
	s1 =	ssub.s32 $0x2, s1;
	s6 =	sor.u32 s4, s3  }
0xb: {  	s3 =	sadd.s32 $0x211000, s0;
	s11 =	sshrl.u32 s1, $0x1;
	s7 =	smul.u32 $0x600, s6  }
0xc: {  	s6 =	sadd.s32 s6, s0;
	s1 =	ssub.s32 s1, s11;
	s11 =	sadd.s32 $0x2D1100, s0  }
0xd: {  	s4 =	sadd.s32 $0x2D1000, s0;
	s13 =	sadd.s32 $0xC00, s6;
	s6 =	sadd.s32 $0x211100, s0  }
0xe: {  	s19 =	sadd.s32 s7, s0;
	s7 =	sadd.s32 $0x211200, s0;
	[dreg:$0x2] =	wrdreg s13  }
0xf: {  	s13 =	sadd.s32 $0x2D1300, s0;
	s16 =	sadd.s32 $0xE00, s19;
	s18 =	sadd.s32 $0x60E00, s19  }
0x10: {  	v2 =	vlaneseq.u32;
	s21 =	sadd.s32 $0xC0E00, s19;
	s19 =	sadd.s32 $0x391400, s0;
	[dreg:$0x3] =	wrdreg s16  }
0x11: {  	vm0 =	vmmov $0xffff;
	v1 =	vshrl.u32 v2, $0x3;
	s16 =	sadd.s32 $0x391100, s0;
	[dreg:$0x4] =	wrdreg s18;
	s18 =	sadd.s32 $0x391300, s0  }
0x12: {  	v0 =	vand.u32 $0x7, v2;
	v2 =	vor.u32 $0x8, v2;
	v1 =	vmul.u32 $0x8, v1;
	[dreg:$0x5] =	wrdreg s21;
	s21 =	smax.u32 s1, $0x1;
	s0 =	simm.s32 $0x80  }
.LBB2_1:
0x13: {  	s28 =	rddreg [dreg:$0x2]  }
0x14: {  	[tilespmem:s2], [sflag:$0x2] =	stream.linear.gather [hbm4b:s28+s2], $0x40, $0x38;
	[tilespmem:$0x18080] =	vst v63  }
0x15: {  	_ =	swait.ge [sflag:s22], $0x40  }
0x16: {  	[sflag:s22] =	ssyncset.done $0x0  }
0x17: {  	[sflag:s22] =	ssyncadd.s32 $0xFFFFFFC0  }
0x18: {  	v3 =	vld [tilespmem:$0x0];
	_ =	sdelay $0x4  }
0x19: {  	v4 =	vshrl.u32 v3, $0x3  }
0x1a: {  	v4 =	vmul.u32 $0x60, v4  }
0x1b: {  	v3 =	vand.u32 $0x7, v3  }
0x1c: {  	v3 =	vor.u32 v3, v4  }
0x1d: {  	v4 =	vperm.xlane v3, v0;
	_ =	sdelay $0x1  }
0x1e: {  	v4 =	vadd.s32 v1, v4;
	_ =	sdelay $0x4  }
0x1f: {  	[tilespmem:s0], [sflag:$0x1] =	stream.indirect_vreg.gather [hbm4b:s3+s2], $0x80, v4, vm0, $0xb8;
	[tilespmem:$0x18080] =	vst v63  }
0x20: {  	_ = 	snop  }
0x21: {  	[tilespmem:s29], [sflag:$0x1] =	stream.indirect_vreg.gather [hbm4b:s6+s2], $0x80, v4, vm0, $0xb8;
	[tilespmem:$0x18080] =	vst v63  }
0x22: {  	_ = 	snop  }
0x23: {  	[tilespmem:s30], [sflag:$0x1] =	stream.indirect_vreg.gather [hbm4b:s7+s2], $0x80, v4, vm0, $0xb8;
	[tilespmem:$0x18080] =	vst v63  }
0x24: {  	v3 =	vperm.xlane v3, v2  }
0x25: {  	[tilespmem:s31], [sflag:$0x1] =	stream.indirect_vreg.gather [hbm4b:s8+s2], $0x80, v4, vm0, $0xb8;
	[tilespmem:$0x18080] =	vst v63  }
0x26: {  	s1 =	simm.s32 $0x2080;
	v3 =	vadd.s32 v1, v3  }
0x27: {  	[tilespmem:s1], [sflag:$0x1] =	stream.indirect_vreg.gather [hbm4b:s9+s2], $0x80, v4, vm0, $0xb8;
	[tilespmem:$0x18080] =	vst v63  }
0x28: {  	s1 =	simm.s32 $0x2880  }
0x29: {  	[tilespmem:s1], [sflag:$0x1] =	stream.indirect_vreg.gather [hbm4b:s10+s2], $0x80, v4, vm0, $0xb8;
	[tilespmem:$0x18080] =	vst v63  }
0x2a: {  	_ = 	snop  }
0x2b: {  	[tilespmem:s24], [sflag:$0x1] =	stream.indirect_vreg.gather [hbm4b:s3+s2], $0x80, v3, vm0, $0xb8;
	[tilespmem:$0x18080] =	vst v63  }
0x2c: {  	_ = 	snop  }
0x2d: {  	[tilespmem:s25], [sflag:$0x1] =	stream.indirect_vreg.gather [hbm4b:s6+s2], $0x80, v3, vm0, $0xb8;
	[tilespmem:$0x18080] =	vst v63  }
0x2e: {  	_ = 	snop  }
0x2f: {  	[tilespmem:s23], [sflag:$0x1] =	stream.indirect_vreg.gather [hbm4b:s7+s2], $0x80, v3, vm0, $0xb8;
	[tilespmem:$0x18080] =	vst v63  }
0x30: {  	s28 =	simm.s32 $0x4880  }
0x31: {  	[tilespmem:s28], [sflag:$0x1] =	stream.indirect_vreg.gather [hbm4b:s8+s2], $0x80, v3, vm0, $0xb8;
	[tilespmem:$0x18080] =	vst v63  }
0x32: {  	s28 =	simm.s32 $0x5080  }
0x33: {  	[tilespmem:s28], [sflag:$0x1] =	stream.indirect_vreg.gather [hbm4b:s9+s2], $0x80, v3, vm0, $0xb8;
	[tilespmem:$0x18080] =	vst v63  }
0x34: {  	s28 =	simm.s32 $0x5880  }
0x35: {  	[tilespmem:s28], [sflag:$0x1] =	stream.indirect_vreg.gather [hbm4b:s10+s2], $0x80, v3, vm0, $0xb8;
	[tilespmem:$0x18080] =	vst v63  }
0x36: {  	v3 =	vld [tilespmem:$0x10];
	_ =	sdelay $0x4  }
0x37: {  	v53 =	vshrl.u32 v3, $0x3  }
0x38: {  	v4 =	vmul.u32 $0x60, v53  }
0x39: {  	v3 =	vand.u32 $0x7, v3  }
0x3a: {  	v3 =	vor.u32 v3, v4  }
0x3b: {  	v4 =	vperm.xlane v3, v0;
	_ =	sdelay $0x1  }
0x3c: {  	v4 =	vadd.s32 v1, v4;
	_ =	sdelay $0x3  }
0x3d: {  	s28 =	simm.s32 $0x6080  }
0x3e: {  	[tilespmem:s28], [sflag:$0x1] =	stream.indirect_vreg.gather [hbm4b:s3+s2], $0x80, v4, vm0, $0xb8;
	[tilespmem:$0x18080] =	vst v63  }
0x3f: {  	s28 =	simm.s32 $0x6880  }
0x40: {  	[tilespmem:s28], [sflag:$0x1] =	stream.indirect_vreg.gather [hbm4b:s6+s2], $0x80, v4, vm0, $0xb8;
	[tilespmem:$0x18080] =	vst v63  }
0x41: {  	s28 =	simm.s32 $0x7080  }
0x42: {  	[tilespmem:s28], [sflag:$0x1] =	stream.indirect_vreg.gather [hbm4b:s7+s2], $0x80, v4, vm0, $0xb8;
	[tilespmem:$0x18080] =	vst v63  }
0x43: {  	v3 =	vperm.xlane v3, v2;
	s28 =	simm.s32 $0x7880  }
0x44: {  	[tilespmem:s28], [sflag:$0x1] =	stream.indirect_vreg.gather [hbm4b:s8+s2], $0x80, v4, vm0, $0xb8;
	[tilespmem:$0x18080] =	vst v63  }
0x45: {  	v3 =	vadd.s32 v1, v3;
	s28 =	simm.s32 $0x8080  }
0x46: {  	[tilespmem:s28], [sflag:$0x1] =	stream.indirect_vreg.gather [hbm4b:s9+s2], $0x80, v4, vm0, $0xb8;
	[tilespmem:$0x18080] =	vst v63  }
0x47: {  	s28 =	simm.s32 $0x8880  }
0x48: {  	[tilespmem:s28], [sflag:$0x1] =	stream.indirect_vreg.gather [hbm4b:s10+s2], $0x80, v4, vm0, $0xb8;
	[tilespmem:$0x18080] =	vst v63  }
0x49: {  	s28 =	simm.s32 $0x9080  }
0x4a: {  	[tilespmem:s28], [sflag:$0x1] =	stream.indirect_vreg.gather [hbm4b:s3+s2], $0x80, v3, vm0, $0xb8;
	[tilespmem:$0x18080] =	vst v63  }
0x4b: {  	s28 =	simm.s32 $0x9880  }
0x4c: {  	[tilespmem:s28], [sflag:$0x1] =	stream.indirect_vreg.gather [hbm4b:s6+s2], $0x80, v3, vm0, $0xb8;
	[tilespmem:$0x18080] =	vst v63  }
0x4d: {  	s28 =	simm.s32 $0xA080  }
0x4e: {  	[tilespmem:s28], [sflag:$0x1] =	stream.indirect_vreg.gather [hbm4b:s7+s2], $0x80, v3, vm0, $0xb8;
	[tilespmem:$0x18080] =	vst v63  }
0x4f: {  	s28 =	simm.s32 $0xA880  }
0x50: {  	[tilespmem:s28], [sflag:$0x1] =	stream.indirect_vreg.gather [hbm4b:s8+s2], $0x80, v3, vm0, $0xb8;
	[tilespmem:$0x18080] =	vst v63  }
0x51: {  	s28 =	simm.s32 $0xB080  }
0x52: {  	[tilespmem:s28], [sflag:$0x1] =	stream.indirect_vreg.gather [hbm4b:s9+s2], $0x80, v3, vm0, $0xb8;
	[tilespmem:$0x18080] =	vst v63  }
0x53: {  	s28 =	simm.s32 $0xB880  }
0x54: {  	[tilespmem:s28], [sflag:$0x1] =	stream.indirect_vreg.gather [hbm4b:s10+s2], $0x80, v3, vm0, $0xb8;
	[tilespmem:$0x18080] =	vst v63  }
0x55: {  	v3 =	vld [tilespmem:$0x20];
	_ =	sdelay $0x4  }
0x56: {  	v54 =	vshrl.u32 v3, $0x3  }
0x57: {  	v4 =	vmul.u32 $0x60, v54  }
0x58: {  	v3 =	vand.u32 $0x7, v3  }
0x59: {  	v3 =	vor.u32 v3, v4  }
0x5a: {  	v4 =	vperm.xlane v3, v0;
	_ =	sdelay $0x1  }
0x5b: {  	v4 =	vadd.s32 v1, v4;
	_ =	sdelay $0x3  }
0x5c: {  	s28 =	simm.s32 $0xC080  }
0x5d: {  	[tilespmem:s28], [sflag:$0x1] =	stream.indirect_vreg.gather [hbm4b:s3+s2], $0x80, v4, vm0, $0xb8;
	[tilespmem:$0x18080] =	vst v63  }
0x5e: {  	s28 =	simm.s32 $0xC880  }
0x5f: {  	[tilespmem:s28], [sflag:$0x1] =	stream.indirect_vreg.gather [hbm4b:s6+s2], $0x80, v4, vm0, $0xb8;
	[tilespmem:$0x18080] =	vst v63  }
0x60: {  	s28 =	simm.s32 $0xD080  }
0x61: {  	[tilespmem:s28], [sflag:$0x1] =	stream.indirect_vreg.gather [hbm4b:s7+s2], $0x80, v4, vm0, $0xb8;
	[tilespmem:$0x18080] =	vst v63  }
0x62: {  	v3 =	vperm.xlane v3, v2;
	s28 =	simm.s32 $0xD880  }
0x63: {  	[tilespmem:s28], [sflag:$0x1] =	stream.indirect_vreg.gather [hbm4b:s8+s2], $0x80, v4, vm0, $0xb8;
	[tilespmem:$0x18080] =	vst v63  }
0x64: {  	v3 =	vadd.s32 v1, v3;
	s28 =	simm.s32 $0xE080  }
0x65: {  	[tilespmem:s28], [sflag:$0x1] =	stream.indirect_vreg.gather [hbm4b:s9+s2], $0x80, v4, vm0, $0xb8;
	[tilespmem:$0x18080] =	vst v63  }
0x66: {  	s28 =	simm.s32 $0xE880  }
0x67: {  	[tilespmem:s28], [sflag:$0x1] =	stream.indirect_vreg.gather [hbm4b:s10+s2], $0x80, v4, vm0, $0xb8;
	[tilespmem:$0x18080] =	vst v63  }
0x68: {  	s28 =	simm.s32 $0xF080  }
0x69: {  	[tilespmem:s28], [sflag:$0x1] =	stream.indirect_vreg.gather [hbm4b:s3+s2], $0x80, v3, vm0, $0xb8;
	[tilespmem:$0x18080] =	vst v63  }
0x6a: {  	s28 =	simm.s32 $0xF880  }
0x6b: {  	[tilespmem:s28], [sflag:$0x1] =	stream.indirect_vreg.gather [hbm4b:s6+s2], $0x80, v3, vm0, $0xb8;
	[tilespmem:$0x18080] =	vst v63  }
0x6c: {  	s28 =	simm.s32 $0x10080  }
0x6d: {  	[tilespmem:s28], [sflag:$0x1] =	stream.indirect_vreg.gather [hbm4b:s7+s2], $0x80, v3, vm0, $0xb8;
	[tilespmem:$0x18080] =	vst v63  }
0x6e: {  	s28 =	simm.s32 $0x10880  }
0x6f: {  	[tilespmem:s28], [sflag:$0x1] =	stream.indirect_vreg.gather [hbm4b:s8+s2], $0x80, v3, vm0, $0xb8;
	[tilespmem:$0x18080] =	vst v63  }
0x70: {  	s28 =	simm.s32 $0x11080  }
0x71: {  	[tilespmem:s28], [sflag:$0x1] =	stream.indirect_vreg.gather [hbm4b:s9+s2], $0x80, v3, vm0, $0xb8;
	[tilespmem:$0x18080] =	vst v63  }
0x72: {  	s28 =	simm.s32 $0x11880  }
0x73: {  	[tilespmem:s28], [sflag:$0x1] =	stream.indirect_vreg.gather [hbm4b:s10+s2], $0x80, v3, vm0, $0xb8;
	[tilespmem:$0x18080] =	vst v63  }
0x74: {  	v3 =	vld [tilespmem:$0x30];
	_ =	sdelay $0x4  }
0x75: {  	v55 =	vshrl.u32 v3, $0x3  }
0x76: {  	v4 =	vmul.u32 $0x60, v55  }
0x77: {  	v3 =	vand.u32 $0x7, v3  }
0x78: {  	v3 =	vor.u32 v3, v4  }
0x79: {  	v4 =	vperm.xlane v3, v0;
	_ =	sdelay $0x1  }
0x7a: {  	v4 =	vadd.s32 v1, v4;
	_ =	sdelay $0x3  }
0x7b: {  	s28 =	simm.s32 $0x12080  }
0x7c: {  	[tilespmem:s28], [sflag:$0x1] =	stream.indirect_vreg.gather [hbm4b:s3+s2], $0x80, v4, vm0, $0xb8;
	[tilespmem:$0x18080] =	vst v63  }
0x7d: {  	s28 =	simm.s32 $0x12880  }
0x7e: {  	[tilespmem:s28], [sflag:$0x1] =	stream.indirect_vreg.gather [hbm4b:s6+s2], $0x80, v4, vm0, $0xb8;
	[tilespmem:$0x18080] =	vst v63  }
0x7f: {  	s28 =	simm.s32 $0x13080  }
0x80: {  	[tilespmem:s28], [sflag:$0x1] =	stream.indirect_vreg.gather [hbm4b:s7+s2], $0x80, v4, vm0, $0xb8;
	[tilespmem:$0x18080] =	vst v63  }
0x81: {  	v3 =	vperm.xlane v3, v2;
	s28 =	simm.s32 $0x13880  }
0x82: {  	[tilespmem:s28], [sflag:$0x1] =	stream.indirect_vreg.gather [hbm4b:s8+s2], $0x80, v4, vm0, $0xb8;
	[tilespmem:$0x18080] =	vst v63  }
0x83: {  	v3 =	vadd.s32 v1, v3;
	s28 =	simm.s32 $0x14080  }
0x84: {  	[tilespmem:s28], [sflag:$0x1] =	stream.indirect_vreg.gather [hbm4b:s9+s2], $0x80, v4, vm0, $0xb8;
	[tilespmem:$0x18080] =	vst v63  }
0x85: {  	s28 =	simm.s32 $0x14880  }
0x86: {  	[tilespmem:s28], [sflag:$0x1] =	stream.indirect_vreg.gather [hbm4b:s10+s2], $0x80, v4, vm0, $0xb8;
	[tilespmem:$0x18080] =	vst v63  }
0x87: {  	s28 =	simm.s32 $0x15080  }
0x88: {  	[tilespmem:s28], [sflag:$0x1] =	stream.indirect_vreg.gather [hbm4b:s3+s2], $0x80, v3, vm0, $0xb8;
	[tilespmem:$0x18080] =	vst v63  }
0x89: {  	s28 =	simm.s32 $0x15880  }
0x8a: {  	[tilespmem:s28], [sflag:$0x1] =	stream.indirect_vreg.gather [hbm4b:s6+s2], $0x80, v3, vm0, $0xb8;
	[tilespmem:$0x18080] =	vst v63  }
0x8b: {  	s28 =	simm.s32 $0x16080  }
0x8c: {  	[tilespmem:s28], [sflag:$0x1] =	stream.indirect_vreg.gather [hbm4b:s7+s2], $0x80, v3, vm0, $0xb8;
	[tilespmem:$0x18080] =	vst v63  }
0x8d: {  	s28 =	simm.s32 $0x16880  }
0x8e: {  	[tilespmem:s28], [sflag:$0x1] =	stream.indirect_vreg.gather [hbm4b:s8+s2], $0x80, v3, vm0, $0xb8;
	[tilespmem:$0x18080] =	vst v63  }
0x8f: {  	s28 =	simm.s32 $0x17080  }
0x90: {  	[tilespmem:s28], [sflag:$0x1] =	stream.indirect_vreg.gather [hbm4b:s9+s2], $0x80, v3, vm0, $0xb8;
	[tilespmem:$0x18080] =	vst v63  }
0x91: {  	s28 =	simm.s32 $0x17880  }
0x92: {  	[tilespmem:s28], [sflag:$0x1] =	stream.indirect_vreg.gather [hbm4b:s10+s2], $0x80, v3, vm0, $0xb8;
	[tilespmem:$0x18080] =	vst v63  }
0x93: {  	_ =	swait.ge [sflag:s26], $0x18000  }
0x94: {  	[sflag:s26] =	ssyncset.done $0x0  }
0x95: {  	s28 =	rddreg [dreg:$0x3];
	[sflag:s26] =	ssyncadd.s32 $0xFFFE8000  }
0x96: {  	[hbm4b:s28+s2] =	stream.linear.scatter [tilespmem:s0], [sflag:$0x2], $0x18000, $0x38;
	[tilespmem:$0x18080] =	vst v63  }
0x97: {  	_ =	swait.ge [sflag:s22], $0x18000  }
0x98: {  	[sflag:s22] =	ssyncset.done $0x0  }
0x99: {  	[sflag:s22] =	ssyncadd.s32 $0xFFFE8000  }
0x9a: {  	v3 =	vld [tilespmem:$0x0];
	_ =	sdelay $0x4  }
0x9b: {  	v56 =	vshrl.u32 v3, $0x3  }
0x9c: {  	v4 =	vmul.u32 $0x60, v56  }
0x9d: {  	v3 =	vand.u32 $0x7, v3  }
0x9e: {  	v3 =	vor.u32 v3, v4  }
0x9f: {  	v4 =	vperm.xlane v3, v0;
	_ =	sdelay $0x1  }
0xa0: {  	v4 =	vadd.s32 v1, v4;
	_ =	sdelay $0x4  }
0xa1: {  	[tilespmem:s0], [sflag:$0x1] =	stream.indirect_vreg.gather [hbm4b:s4+s2], $0x80, v4, vm0, $0xb8;
	[tilespmem:$0x18080] =	vst v63  }
0xa2: {  	_ = 	snop  }
0xa3: {  	[tilespmem:s29], [sflag:$0x1] =	stream.indirect_vreg.gather [hbm4b:s11+s2], $0x80, v4, vm0, $0xb8;
	[tilespmem:$0x18080] =	vst v63  }
0xa4: {  	_ = 	snop  }
0xa5: {  	[tilespmem:s30], [sflag:$0x1] =	stream.indirect_vreg.gather [hbm4b:s12+s2], $0x80, v4, vm0, $0xb8;
	[tilespmem:$0x18080] =	vst v63  }
0xa6: {  	v3 =	vperm.xlane v3, v2  }
0xa7: {  	[tilespmem:s31], [sflag:$0x1] =	stream.indirect_vreg.gather [hbm4b:s13+s2], $0x80, v4, vm0, $0xb8;
	[tilespmem:$0x18080] =	vst v63  }
0xa8: {  	s28 =	simm.s32 $0x2080;
	v3 =	vadd.s32 v1, v3  }
0xa9: {  	[tilespmem:s28], [sflag:$0x1] =	stream.indirect_vreg.gather [hbm4b:s14+s2], $0x80, v4, vm0, $0xb8;
	[tilespmem:$0x18080] =	vst v63  }
0xaa: {  	_ = 	snop  }
0xab: {  	[tilespmem:s1], [sflag:$0x1] =	stream.indirect_vreg.gather [hbm4b:s15+s2], $0x80, v4, vm0, $0xb8;
	[tilespmem:$0x18080] =	vst v63  }
0xac: {  	_ = 	snop  }
0xad: {  	[tilespmem:s24], [sflag:$0x1] =	stream.indirect_vreg.gather [hbm4b:s4+s2], $0x80, v3, vm0, $0xb8;
	[tilespmem:$0x18080] =	vst v63  }
0xae: {  	_ = 	snop  }
0xaf: {  	[tilespmem:s25], [sflag:$0x1] =	stream.indirect_vreg.gather [hbm4b:s11+s2], $0x80, v3, vm0, $0xb8;
	[tilespmem:$0x18080] =	vst v63  }
0xb0: {  	_ = 	snop  }
0xb1: {  	[tilespmem:s23], [sflag:$0x1] =	stream.indirect_vreg.gather [hbm4b:s12+s2], $0x80, v3, vm0, $0xb8;
	[tilespmem:$0x18080] =	vst v63  }
0xb2: {  	s28 =	simm.s32 $0x4880  }
0xb3: {  	[tilespmem:s28], [sflag:$0x1] =	stream.indirect_vreg.gather [hbm4b:s13+s2], $0x80, v3, vm0, $0xb8;
	[tilespmem:$0x18080] =	vst v63  }
0xb4: {  	s28 =	simm.s32 $0x5080  }
0xb5: {  	[tilespmem:s28], [sflag:$0x1] =	stream.indirect_vreg.gather [hbm4b:s14+s2], $0x80, v3, vm0, $0xb8;
	[tilespmem:$0x18080] =	vst v63  }
0xb6: {  	s28 =	simm.s32 $0x5880  }
0xb7: {  	[tilespmem:s28], [sflag:$0x1] =	stream.indirect_vreg.gather [hbm4b:s15+s2], $0x80, v3, vm0, $0xb8;
	[tilespmem:$0x18080] =	vst v63  }
0xb8: {  	v3 =	vld [tilespmem:$0x10];
	_ =	sdelay $0x4  }
0xb9: {  	v57 =	vshrl.u32 v3, $0x3  }
0xba: {  	v4 =	vmul.u32 $0x60, v57  }
0xbb: {  	v3 =	vand.u32 $0x7, v3  }
0xbc: {  	v3 =	vor.u32 v3, v4  }
0xbd: {  	v4 =	vperm.xlane v3, v0;
	_ =	sdelay $0x1  }
0xbe: {  	v4 =	vadd.s32 v1, v4;
	_ =	sdelay $0x3  }
0xbf: {  	s28 =	simm.s32 $0x6080  }
0xc0: {  	[tilespmem:s28], [sflag:$0x1] =	stream.indirect_vreg.gather [hbm4b:s4+s2], $0x80, v4, vm0, $0xb8;
	[tilespmem:$0x18080] =	vst v63  }
0xc1: {  	s28 =	simm.s32 $0x6880  }
0xc2: {  	[tilespmem:s28], [sflag:$0x1] =	stream.indirect_vreg.gather [hbm4b:s11+s2], $0x80, v4, vm0, $0xb8;
	[tilespmem:$0x18080] =	vst v63  }
0xc3: {  	s28 =	simm.s32 $0x7080  }
0xc4: {  	[tilespmem:s28], [sflag:$0x1] =	stream.indirect_vreg.gather [hbm4b:s12+s2], $0x80, v4, vm0, $0xb8;
	[tilespmem:$0x18080] =	vst v63  }
0xc5: {  	v3 =	vperm.xlane v3, v2;
	s28 =	simm.s32 $0x7880  }
0xc6: {  	[tilespmem:s28], [sflag:$0x1] =	stream.indirect_vreg.gather [hbm4b:s13+s2], $0x80, v4, vm0, $0xb8;
	[tilespmem:$0x18080] =	vst v63  }
0xc7: {  	v3 =	vadd.s32 v1, v3;
	s28 =	simm.s32 $0x8080  }
0xc8: {  	[tilespmem:s28], [sflag:$0x1] =	stream.indirect_vreg.gather [hbm4b:s14+s2], $0x80, v4, vm0, $0xb8;
	[tilespmem:$0x18080] =	vst v63  }
0xc9: {  	s28 =	simm.s32 $0x8880  }
0xca: {  	[tilespmem:s28], [sflag:$0x1] =	stream.indirect_vreg.gather [hbm4b:s15+s2], $0x80, v4, vm0, $0xb8;
	[tilespmem:$0x18080] =	vst v63  }
0xcb: {  	s28 =	simm.s32 $0x9080  }
0xcc: {  	[tilespmem:s28], [sflag:$0x1] =	stream.indirect_vreg.gather [hbm4b:s4+s2], $0x80, v3, vm0, $0xb8;
	[tilespmem:$0x18080] =	vst v63  }
0xcd: {  	s28 =	simm.s32 $0x9880  }
0xce: {  	[tilespmem:s28], [sflag:$0x1] =	stream.indirect_vreg.gather [hbm4b:s11+s2], $0x80, v3, vm0, $0xb8;
	[tilespmem:$0x18080] =	vst v63  }
0xcf: {  	s28 =	simm.s32 $0xA080  }
0xd0: {  	[tilespmem:s28], [sflag:$0x1] =	stream.indirect_vreg.gather [hbm4b:s12+s2], $0x80, v3, vm0, $0xb8;
	[tilespmem:$0x18080] =	vst v63  }
0xd1: {  	s28 =	simm.s32 $0xA880  }
0xd2: {  	[tilespmem:s28], [sflag:$0x1] =	stream.indirect_vreg.gather [hbm4b:s13+s2], $0x80, v3, vm0, $0xb8;
	[tilespmem:$0x18080] =	vst v63  }
0xd3: {  	s28 =	simm.s32 $0xB080  }
0xd4: {  	[tilespmem:s28], [sflag:$0x1] =	stream.indirect_vreg.gather [hbm4b:s14+s2], $0x80, v3, vm0, $0xb8;
	[tilespmem:$0x18080] =	vst v63  }
0xd5: {  	s28 =	simm.s32 $0xB880  }
0xd6: {  	[tilespmem:s28], [sflag:$0x1] =	stream.indirect_vreg.gather [hbm4b:s15+s2], $0x80, v3, vm0, $0xb8;
	[tilespmem:$0x18080] =	vst v63  }
0xd7: {  	v3 =	vld [tilespmem:$0x20];
	_ =	sdelay $0x4  }
0xd8: {  	v58 =	vshrl.u32 v3, $0x3  }
0xd9: {  	v4 =	vmul.u32 $0x60, v58  }
0xda: {  	v3 =	vand.u32 $0x7, v3  }
0xdb: {  	v3 =	vor.u32 v3, v4  }
0xdc: {  	v4 =	vperm.xlane v3, v0;
	_ =	sdelay $0x1  }
0xdd: {  	v4 =	vadd.s32 v1, v4;
	_ =	sdelay $0x3  }
0xde: {  	s28 =	simm.s32 $0xC080  }
0xdf: {  	[tilespmem:s28], [sflag:$0x1] =	stream.indirect_vreg.gather [hbm4b:s4+s2], $0x80, v4, vm0, $0xb8;
	[tilespmem:$0x18080] =	vst v63  }
0xe0: {  	s28 =	simm.s32 $0xC880  }
0xe1: {  	[tilespmem:s28], [sflag:$0x1] =	stream.indirect_vreg.gather [hbm4b:s11+s2], $0x80, v4, vm0, $0xb8;
	[tilespmem:$0x18080] =	vst v63  }
0xe2: {  	s28 =	simm.s32 $0xD080  }
0xe3: {  	[tilespmem:s28], [sflag:$0x1] =	stream.indirect_vreg.gather [hbm4b:s12+s2], $0x80, v4, vm0, $0xb8;
	[tilespmem:$0x18080] =	vst v63  }
0xe4: {  	v3 =	vperm.xlane v3, v2;
	s28 =	simm.s32 $0xD880  }
0xe5: {  	[tilespmem:s28], [sflag:$0x1] =	stream.indirect_vreg.gather [hbm4b:s13+s2], $0x80, v4, vm0, $0xb8;
	[tilespmem:$0x18080] =	vst v63  }
0xe6: {  	v3 =	vadd.s32 v1, v3;
	s28 =	simm.s32 $0xE080  }
0xe7: {  	[tilespmem:s28], [sflag:$0x1] =	stream.indirect_vreg.gather [hbm4b:s14+s2], $0x80, v4, vm0, $0xb8;
	[tilespmem:$0x18080] =	vst v63  }
0xe8: {  	s28 =	simm.s32 $0xE880  }
0xe9: {  	[tilespmem:s28], [sflag:$0x1] =	stream.indirect_vreg.gather [hbm4b:s15+s2], $0x80, v4, vm0, $0xb8;
	[tilespmem:$0x18080] =	vst v63  }
0xea: {  	s28 =	simm.s32 $0xF080  }
0xeb: {  	[tilespmem:s28], [sflag:$0x1] =	stream.indirect_vreg.gather [hbm4b:s4+s2], $0x80, v3, vm0, $0xb8;
	[tilespmem:$0x18080] =	vst v63  }
0xec: {  	s28 =	simm.s32 $0xF880  }
0xed: {  	[tilespmem:s28], [sflag:$0x1] =	stream.indirect_vreg.gather [hbm4b:s11+s2], $0x80, v3, vm0, $0xb8;
	[tilespmem:$0x18080] =	vst v63  }
0xee: {  	s28 =	simm.s32 $0x10080  }
0xef: {  	[tilespmem:s28], [sflag:$0x1] =	stream.indirect_vreg.gather [hbm4b:s12+s2], $0x80, v3, vm0, $0xb8;
	[tilespmem:$0x18080] =	vst v63  }
0xf0: {  	s28 =	simm.s32 $0x10880  }
0xf1: {  	[tilespmem:s28], [sflag:$0x1] =	stream.indirect_vreg.gather [hbm4b:s13+s2], $0x80, v3, vm0, $0xb8;
	[tilespmem:$0x18080] =	vst v63  }
0xf2: {  	s28 =	simm.s32 $0x11080  }
0xf3: {  	[tilespmem:s28], [sflag:$0x1] =	stream.indirect_vreg.gather [hbm4b:s14+s2], $0x80, v3, vm0, $0xb8;
	[tilespmem:$0x18080] =	vst v63  }
0xf4: {  	s28 =	simm.s32 $0x11880  }
0xf5: {  	[tilespmem:s28], [sflag:$0x1] =	stream.indirect_vreg.gather [hbm4b:s15+s2], $0x80, v3, vm0, $0xb8;
	[tilespmem:$0x18080] =	vst v63  }
0xf6: {  	v3 =	vld [tilespmem:$0x30];
	_ =	sdelay $0x4  }
0xf7: {  	v59 =	vshrl.u32 v3, $0x3  }
0xf8: {  	v4 =	vmul.u32 $0x60, v59  }
0xf9: {  	v3 =	vand.u32 $0x7, v3  }
0xfa: {  	v3 =	vor.u32 v3, v4  }
0xfb: {  	v4 =	vperm.xlane v3, v0;
	_ =	sdelay $0x1  }
0xfc: {  	v4 =	vadd.s32 v1, v4;
	_ =	sdelay $0x3  }
0xfd: {  	s28 =	simm.s32 $0x12080  }
0xfe: {  	[tilespmem:s28], [sflag:$0x1] =	stream.indirect_vreg.gather [hbm4b:s4+s2], $0x80, v4, vm0, $0xb8;
	[tilespmem:$0x18080] =	vst v63  }
0xff: {  	s28 =	simm.s32 $0x12880  }
0x100: {  	[tilespmem:s28], [sflag:$0x1] =	stream.indirect_vreg.gather [hbm4b:s11+s2], $0x80, v4, vm0, $0xb8;
	[tilespmem:$0x18080] =	vst v63  }
0x101: {  	s28 =	simm.s32 $0x13080  }
0x102: {  	[tilespmem:s28], [sflag:$0x1] =	stream.indirect_vreg.gather [hbm4b:s12+s2], $0x80, v4, vm0, $0xb8;
	[tilespmem:$0x18080] =	vst v63  }
0x103: {  	v3 =	vperm.xlane v3, v2;
	s28 =	simm.s32 $0x13880  }
0x104: {  	[tilespmem:s28], [sflag:$0x1] =	stream.indirect_vreg.gather [hbm4b:s13+s2], $0x80, v4, vm0, $0xb8;
	[tilespmem:$0x18080] =	vst v63  }
0x105: {  	v3 =	vadd.s32 v1, v3;
	s28 =	simm.s32 $0x14080  }
0x106: {  	[tilespmem:s28], [sflag:$0x1] =	stream.indirect_vreg.gather [hbm4b:s14+s2], $0x80, v4, vm0, $0xb8;
	[tilespmem:$0x18080] =	vst v63  }
0x107: {  	s28 =	simm.s32 $0x14880  }
0x108: {  	[tilespmem:s28], [sflag:$0x1] =	stream.indirect_vreg.gather [hbm4b:s15+s2], $0x80, v4, vm0, $0xb8;
	[tilespmem:$0x18080] =	vst v63  }
0x109: {  	s28 =	simm.s32 $0x15080  }
0x10a: {  	[tilespmem:s28], [sflag:$0x1] =	stream.indirect_vreg.gather [hbm4b:s4+s2], $0x80, v3, vm0, $0xb8;
	[tilespmem:$0x18080] =	vst v63  }
0x10b: {  	s28 =	simm.s32 $0x15880  }
0x10c: {  	[tilespmem:s28], [sflag:$0x1] =	stream.indirect_vreg.gather [hbm4b:s11+s2], $0x80, v3, vm0, $0xb8;
	[tilespmem:$0x18080] =	vst v63  }
0x10d: {  	s28 =	simm.s32 $0x16080  }
0x10e: {  	[tilespmem:s28], [sflag:$0x1] =	stream.indirect_vreg.gather [hbm4b:s12+s2], $0x80, v3, vm0, $0xb8;
	[tilespmem:$0x18080] =	vst v63  }
0x10f: {  	s28 =	simm.s32 $0x16880  }
0x110: {  	[tilespmem:s28], [sflag:$0x1] =	stream.indirect_vreg.gather [hbm4b:s13+s2], $0x80, v3, vm0, $0xb8;
	[tilespmem:$0x18080] =	vst v63  }
0x111: {  	s28 =	simm.s32 $0x17080  }
0x112: {  	[tilespmem:s28], [sflag:$0x1] =	stream.indirect_vreg.gather [hbm4b:s14+s2], $0x80, v3, vm0, $0xb8;
	[tilespmem:$0x18080] =	vst v63  }
0x113: {  	s28 =	simm.s32 $0x17880  }
0x114: {  	[tilespmem:s28], [sflag:$0x1] =	stream.indirect_vreg.gather [hbm4b:s15+s2], $0x80, v3, vm0, $0xb8;
	[tilespmem:$0x18080] =	vst v63  }
0x115: {  	_ =	swait.ge [sflag:s26], $0x18000  }
0x116: {  	[sflag:s26] =	ssyncset.done $0x0  }
0x117: {  	s28 =	rddreg [dreg:$0x4];
	[sflag:s26] =	ssyncadd.s32 $0xFFFE8000  }
0x118: {  	[hbm4b:s28+s2] =	stream.linear.scatter [tilespmem:s0], [sflag:$0x2], $0x18000, $0x38;
	[tilespmem:$0x18080] =	vst v63  }
0x119: {  	_ =	swait.ge [sflag:s22], $0x18000  }
0x11a: {  	[sflag:s22] =	ssyncset.done $0x0  }
0x11b: {  	[sflag:s22] =	ssyncadd.s32 $0xFFFE8000  }
0x11c: {  	v3 =	vld [tilespmem:$0x0];
	_ =	sdelay $0x4  }
0x11d: {  	v60 =	vshrl.u32 v3, $0x3  }
0x11e: {  	v4 =	vmul.u32 $0x60, v60  }
0x11f: {  	v3 =	vand.u32 $0x7, v3  }
0x120: {  	v3 =	vor.u32 v3, v4  }
0x121: {  	v4 =	vperm.xlane v3, v0;
	_ =	sdelay $0x1  }
0x122: {  	v4 =	vadd.s32 v1, v4;
	_ =	sdelay $0x4  }
0x123: {  	[tilespmem:s0], [sflag:$0x1] =	stream.indirect_vreg.gather [hbm4b:s5+s2], $0x80, v4, vm0, $0xb8;
	[tilespmem:$0x18080] =	vst v63  }
0x124: {  	_ = 	snop  }
0x125: {  	[tilespmem:s29], [sflag:$0x1] =	stream.indirect_vreg.gather [hbm4b:s16+s2], $0x80, v4, vm0, $0xb8;
	[tilespmem:$0x18080] =	vst v63  }
0x126: {  	_ = 	snop  }
0x127: {  	[tilespmem:s30], [sflag:$0x1] =	stream.indirect_vreg.gather [hbm4b:s17+s2], $0x80, v4, vm0, $0xb8;
	[tilespmem:$0x18080] =	vst v63  }
0x128: {  	v3 =	vperm.xlane v3, v2  }
0x129: {  	[tilespmem:s31], [sflag:$0x1] =	stream.indirect_vreg.gather [hbm4b:s18+s2], $0x80, v4, vm0, $0xb8;
	[tilespmem:$0x18080] =	vst v63  }
0x12a: {  	s28 =	simm.s32 $0x2080;
	v3 =	vadd.s32 v1, v3  }
0x12b: {  	[tilespmem:s28], [sflag:$0x1] =	stream.indirect_vreg.gather [hbm4b:s19+s2], $0x80, v4, vm0, $0xb8;
	[tilespmem:$0x18080] =	vst v63  }
0x12c: {  	_ = 	snop  }
0x12d: {  	[tilespmem:s1], [sflag:$0x1] =	stream.indirect_vreg.gather [hbm4b:s20+s2], $0x80, v4, vm0, $0xb8;
	[tilespmem:$0x18080] =	vst v63  }
0x12e: {  	_ = 	snop  }
0x12f: {  	[tilespmem:s24], [sflag:$0x1] =	stream.indirect_vreg.gather [hbm4b:s5+s2], $0x80, v3, vm0, $0xb8;
	[tilespmem:$0x18080] =	vst v63  }
0x130: {  	_ = 	snop  }
0x131: {  	[tilespmem:s25], [sflag:$0x1] =	stream.indirect_vreg.gather [hbm4b:s16+s2], $0x80, v3, vm0, $0xb8;
	[tilespmem:$0x18080] =	vst v63  }
0x132: {  	_ = 	snop  }
0x133: {  	[tilespmem:s23], [sflag:$0x1] =	stream.indirect_vreg.gather [hbm4b:s17+s2], $0x80, v3, vm0, $0xb8;
	[tilespmem:$0x18080] =	vst v63  }
0x134: {  	s28 =	simm.s32 $0x4880  }
0x135: {  	[tilespmem:s28], [sflag:$0x1] =	stream.indirect_vreg.gather [hbm4b:s18+s2], $0x80, v3, vm0, $0xb8;
	[tilespmem:$0x18080] =	vst v63  }
0x136: {  	s28 =	simm.s32 $0x5080  }
0x137: {  	[tilespmem:s28], [sflag:$0x1] =	stream.indirect_vreg.gather [hbm4b:s19+s2], $0x80, v3, vm0, $0xb8;
	[tilespmem:$0x18080] =	vst v63  }
0x138: {  	s28 =	simm.s32 $0x5880  }
0x139: {  	[tilespmem:s28], [sflag:$0x1] =	stream.indirect_vreg.gather [hbm4b:s20+s2], $0x80, v3, vm0, $0xb8;
	[tilespmem:$0x18080] =	vst v63  }
0x13a: {  	v3 =	vld [tilespmem:$0x10];
	_ =	sdelay $0x4  }
0x13b: {  	v61 =	vshrl.u32 v3, $0x3  }
0x13c: {  	v4 =	vmul.u32 $0x60, v61  }
0x13d: {  	v3 =	vand.u32 $0x7, v3  }
0x13e: {  	v3 =	vor.u32 v3, v4  }
0x13f: {  	v4 =	vperm.xlane v3, v0;
	_ =	sdelay $0x1  }
0x140: {  	v4 =	vadd.s32 v1, v4;
	_ =	sdelay $0x3  }
0x141: {  	s28 =	simm.s32 $0x6080  }
0x142: {  	[tilespmem:s28], [sflag:$0x1] =	stream.indirect_vreg.gather [hbm4b:s5+s2], $0x80, v4, vm0, $0xb8;
	[tilespmem:$0x18080] =	vst v63  }
0x143: {  	s28 =	simm.s32 $0x6880  }
0x144: {  	[tilespmem:s28], [sflag:$0x1] =	stream.indirect_vreg.gather [hbm4b:s16+s2], $0x80, v4, vm0, $0xb8;
	[tilespmem:$0x18080] =	vst v63  }
0x145: {  	s28 =	simm.s32 $0x7080  }
0x146: {  	[tilespmem:s28], [sflag:$0x1] =	stream.indirect_vreg.gather [hbm4b:s17+s2], $0x80, v4, vm0, $0xb8;
	[tilespmem:$0x18080] =	vst v63  }
0x147: {  	v3 =	vperm.xlane v3, v2;
	s28 =	simm.s32 $0x7880  }
0x148: {  	[tilespmem:s28], [sflag:$0x1] =	stream.indirect_vreg.gather [hbm4b:s18+s2], $0x80, v4, vm0, $0xb8;
	[tilespmem:$0x18080] =	vst v63  }
0x149: {  	v3 =	vadd.s32 v1, v3;
	s28 =	simm.s32 $0x8080  }
0x14a: {  	[tilespmem:s28], [sflag:$0x1] =	stream.indirect_vreg.gather [hbm4b:s19+s2], $0x80, v4, vm0, $0xb8;
	[tilespmem:$0x18080] =	vst v63  }
0x14b: {  	s28 =	simm.s32 $0x8880  }
0x14c: {  	[tilespmem:s28], [sflag:$0x1] =	stream.indirect_vreg.gather [hbm4b:s20+s2], $0x80, v4, vm0, $0xb8;
	[tilespmem:$0x18080] =	vst v63  }
0x14d: {  	s28 =	simm.s32 $0x9080  }
0x14e: {  	[tilespmem:s28], [sflag:$0x1] =	stream.indirect_vreg.gather [hbm4b:s5+s2], $0x80, v3, vm0, $0xb8;
	[tilespmem:$0x18080] =	vst v63  }
0x14f: {  	s28 =	simm.s32 $0x9880  }
0x150: {  	[tilespmem:s28], [sflag:$0x1] =	stream.indirect_vreg.gather [hbm4b:s16+s2], $0x80, v3, vm0, $0xb8;
	[tilespmem:$0x18080] =	vst v63  }
0x151: {  	s28 =	simm.s32 $0xA080  }
0x152: {  	[tilespmem:s28], [sflag:$0x1] =	stream.indirect_vreg.gather [hbm4b:s17+s2], $0x80, v3, vm0, $0xb8;
	[tilespmem:$0x18080] =	vst v63  }
0x153: {  	s28 =	simm.s32 $0xA880  }
0x154: {  	[tilespmem:s28], [sflag:$0x1] =	stream.indirect_vreg.gather [hbm4b:s18+s2], $0x80, v3, vm0, $0xb8;
	[tilespmem:$0x18080] =	vst v63  }
0x155: {  	s28 =	simm.s32 $0xB080  }
0x156: {  	[tilespmem:s28], [sflag:$0x1] =	stream.indirect_vreg.gather [hbm4b:s19+s2], $0x80, v3, vm0, $0xb8;
	[tilespmem:$0x18080] =	vst v63  }
0x157: {  	s28 =	simm.s32 $0xB880  }
0x158: {  	[tilespmem:s28], [sflag:$0x1] =	stream.indirect_vreg.gather [hbm4b:s20+s2], $0x80, v3, vm0, $0xb8;
	[tilespmem:$0x18080] =	vst v63  }
0x159: {  	v3 =	vld [tilespmem:$0x20];
	_ =	sdelay $0x4  }
0x15a: {  	v62 =	vshrl.u32 v3, $0x3  }
0x15b: {  	v4 =	vmul.u32 $0x60, v62  }
0x15c: {  	v3 =	vand.u32 $0x7, v3  }
0x15d: {  	v3 =	vor.u32 v3, v4  }
0x15e: {  	v4 =	vperm.xlane v3, v0;
	_ =	sdelay $0x1  }
0x15f: {  	v4 =	vadd.s32 v1, v4;
	_ =	sdelay $0x3  }
0x160: {  	s28 =	simm.s32 $0xC080  }
0x161: {  	[tilespmem:s28], [sflag:$0x1] =	stream.indirect_vreg.gather [hbm4b:s5+s2], $0x80, v4, vm0, $0xb8;
	[tilespmem:$0x18080] =	vst v63  }
0x162: {  	s28 =	simm.s32 $0xC880  }
0x163: {  	[tilespmem:s28], [sflag:$0x1] =	stream.indirect_vreg.gather [hbm4b:s16+s2], $0x80, v4, vm0, $0xb8;
	[tilespmem:$0x18080] =	vst v63  }
0x164: {  	s28 =	simm.s32 $0xD080  }
0x165: {  	[tilespmem:s28], [sflag:$0x1] =	stream.indirect_vreg.gather [hbm4b:s17+s2], $0x80, v4, vm0, $0xb8;
	[tilespmem:$0x18080] =	vst v63  }
0x166: {  	v3 =	vperm.xlane v3, v2;
	s28 =	simm.s32 $0xD880  }
0x167: {  	[tilespmem:s28], [sflag:$0x1] =	stream.indirect_vreg.gather [hbm4b:s18+s2], $0x80, v4, vm0, $0xb8;
	[tilespmem:$0x18080] =	vst v63  }
0x168: {  	v3 =	vadd.s32 v1, v3;
	s28 =	simm.s32 $0xE080  }
0x169: {  	[tilespmem:s28], [sflag:$0x1] =	stream.indirect_vreg.gather [hbm4b:s19+s2], $0x80, v4, vm0, $0xb8;
	[tilespmem:$0x18080] =	vst v63  }
0x16a: {  	s28 =	simm.s32 $0xE880  }
0x16b: {  	[tilespmem:s28], [sflag:$0x1] =	stream.indirect_vreg.gather [hbm4b:s20+s2], $0x80, v4, vm0, $0xb8;
	[tilespmem:$0x18080] =	vst v63  }
0x16c: {  	s28 =	simm.s32 $0xF080  }
0x16d: {  	[tilespmem:s28], [sflag:$0x1] =	stream.indirect_vreg.gather [hbm4b:s5+s2], $0x80, v3, vm0, $0xb8;
	[tilespmem:$0x18080] =	vst v63  }
0x16e: {  	s28 =	simm.s32 $0xF880  }
0x16f: {  	[tilespmem:s28], [sflag:$0x1] =	stream.indirect_vreg.gather [hbm4b:s16+s2], $0x80, v3, vm0, $0xb8;
	[tilespmem:$0x18080] =	vst v63  }
0x170: {  	s28 =	simm.s32 $0x10080  }
0x171: {  	[tilespmem:s28], [sflag:$0x1] =	stream.indirect_vreg.gather [hbm4b:s17+s2], $0x80, v3, vm0, $0xb8;
	[tilespmem:$0x18080] =	vst v63  }
0x172: {  	s28 =	simm.s32 $0x10880  }
0x173: {  	[tilespmem:s28], [sflag:$0x1] =	stream.indirect_vreg.gather [hbm4b:s18+s2], $0x80, v3, vm0, $0xb8;
	[tilespmem:$0x18080] =	vst v63  }
0x174: {  	s28 =	simm.s32 $0x11080  }
0x175: {  	[tilespmem:s28], [sflag:$0x1] =	stream.indirect_vreg.gather [hbm4b:s19+s2], $0x80, v3, vm0, $0xb8;
	[tilespmem:$0x18080] =	vst v63  }
0x176: {  	s28 =	simm.s32 $0x11880  }
0x177: {  	[tilespmem:s28], [sflag:$0x1] =	stream.indirect_vreg.gather [hbm4b:s20+s2], $0x80, v3, vm0, $0xb8;
	[tilespmem:$0x18080] =	vst v63  }
0x178: {  	v3 =	vld [tilespmem:$0x30];
	_ =	sdelay $0x4  }
0x179: {  	v63 =	vshrl.u32 v3, $0x3  }
0x17a: {  	v4 =	vmul.u32 $0x60, v63  }
0x17b: {  	v3 =	vand.u32 $0x7, v3  }
0x17c: {  	v3 =	vor.u32 v3, v4  }
0x17d: {  	v4 =	vperm.xlane v3, v0;
	_ =	sdelay $0x1  }
0x17e: {  	v4 =	vadd.s32 v1, v4;
	_ =	sdelay $0x3  }
0x17f: {  	s28 =	simm.s32 $0x12080  }
0x180: {  	[tilespmem:s28], [sflag:$0x1] =	stream.indirect_vreg.gather [hbm4b:s5+s2], $0x80, v4, vm0, $0xb8;
	[tilespmem:$0x18080] =	vst v63  }
0x181: {  	s28 =	simm.s32 $0x12880  }
0x182: {  	[tilespmem:s28], [sflag:$0x1] =	stream.indirect_vreg.gather [hbm4b:s16+s2], $0x80, v4, vm0, $0xb8;
	[tilespmem:$0x18080] =	vst v63  }
0x183: {  	s28 =	simm.s32 $0x13080  }
0x184: {  	[tilespmem:s28], [sflag:$0x1] =	stream.indirect_vreg.gather [hbm4b:s17+s2], $0x80, v4, vm0, $0xb8;
	[tilespmem:$0x18080] =	vst v63  }
0x185: {  	v3 =	vperm.xlane v3, v2;
	s28 =	simm.s32 $0x13880  }
0x186: {  	[tilespmem:s28], [sflag:$0x1] =	stream.indirect_vreg.gather [hbm4b:s18+s2], $0x80, v4, vm0, $0xb8;
	[tilespmem:$0x18080] =	vst v63  }
0x187: {  	v3 =	vadd.s32 v1, v3;
	s28 =	simm.s32 $0x14080  }
0x188: {  	[tilespmem:s28], [sflag:$0x1] =	stream.indirect_vreg.gather [hbm4b:s19+s2], $0x80, v4, vm0, $0xb8;
	[tilespmem:$0x18080] =	vst v63  }
0x189: {  	s28 =	simm.s32 $0x14880  }
0x18a: {  	[tilespmem:s28], [sflag:$0x1] =	stream.indirect_vreg.gather [hbm4b:s20+s2], $0x80, v4, vm0, $0xb8;
	[tilespmem:$0x18080] =	vst v63  }
0x18b: {  	s28 =	simm.s32 $0x15080  }
0x18c: {  	[tilespmem:s28], [sflag:$0x1] =	stream.indirect_vreg.gather [hbm4b:s5+s2], $0x80, v3, vm0, $0xb8;
	[tilespmem:$0x18080] =	vst v63  }
0x18d: {  	s28 =	simm.s32 $0x15880  }
0x18e: {  	[tilespmem:s28], [sflag:$0x1] =	stream.indirect_vreg.gather [hbm4b:s16+s2], $0x80, v3, vm0, $0xb8;
	[tilespmem:$0x18080] =	vst v63  }
0x18f: {  	s28 =	simm.s32 $0x16080  }
0x190: {  	[tilespmem:s28], [sflag:$0x1] =	stream.indirect_vreg.gather [hbm4b:s17+s2], $0x80, v3, vm0, $0xb8;
	[tilespmem:$0x18080] =	vst v63  }
0x191: {  	s28 =	simm.s32 $0x16880  }
0x192: {  	[tilespmem:s28], [sflag:$0x1] =	stream.indirect_vreg.gather [hbm4b:s18+s2], $0x80, v3, vm0, $0xb8;
	[tilespmem:$0x18080] =	vst v63  }
0x193: {  	s28 =	simm.s32 $0x17080  }
0x194: {  	[tilespmem:s28], [sflag:$0x1] =	stream.indirect_vreg.gather [hbm4b:s19+s2], $0x80, v3, vm0, $0xb8;
	[tilespmem:$0x18080] =	vst v63  }
0x195: {  	s28 =	simm.s32 $0x17880  }
0x196: {  	[tilespmem:s28], [sflag:$0x1] =	stream.indirect_vreg.gather [hbm4b:s20+s2], $0x80, v3, vm0, $0xb8;
	[tilespmem:$0x18080] =	vst v63  }
0x197: {  	_ =	swait.ge [sflag:s26], $0x18000  }
0x198: {  	p0 =	sne.s32 s21, $0x1;
	[sflag:s26] =	ssyncset.done $0x0  }
.Ltmp0:
0x199: {  	s1 =	rddreg [dreg:$0x5];
	[sflag:s26] =	ssyncadd.s32 $0xFFFE8000;
	(pc) =	sbr.rel @p0 .LBB2_1-.Ltmp0, $4  }
0x19a: {  	[hbm4b:s1+s2] =	stream.linear.scatter [tilespmem:s0], [sflag:$0x2], $0x18000, $0x38;
	[tilespmem:$0x18080] =	vst v63  }
0x19b: {  	_ =	swait.ge [sflag:s22], $0x18000  }
0x19c: {  	[sflag:s22] =	ssyncset.done $0x0  }
0x19d: {  	s21 =	sadd.s32 $0xFFFFFFFF, s21;
	[sflag:s22] =	ssyncadd.s32 $0xFFFE8000  }
0x19e: {  	_ =	sfence.sel $0x180000  }
0x19f: {  	[bflag:$0x0] =	sbarrier.arrive $0xFFFF  }
0x1a0: {  	_ =	strace $0x9000004A  }
0x1a1: {  	s0 =	stileid.u32;
	[bflag:$0x2] =	sbarrier.arrive $0xFFFF  }
0x1a2: {  	p0 =	sne.s32 s0, $0x0;
	s0 =	rddreg [dreg:$0x1]  }
0x1a3: {  	s0 =	sadd.s32 @!p0 $0x100000, s0  }
0x1a4: {  	[sflag:s0] =	ssyncadd.tile.s32 @!p0 $0x1;
	_ =	shalt  }
.Lfunc_end2:
_tile_overlayer_lowered:
.L_overlay_start_2:
0x1a5: {  	(tag) =	ssettag $0x2  }
0x1a6: {  	s0 =	rddreg [dreg:$0x0];
	s2 =	stileid.u32  }
0x1a7: {  	s1 =	rddreg [dreg:$0x1];
	p0 =	sne.s32 s2, $0x0  }
0x1a8: {  	s3 =	rddreg [dreg:$0x2];
	[bflag:$0x3] =	sbarrier.arrive $0xFFFF;
	s2 =	simm.s32 @!p0 $0x1C02  }
0x1a9: {  	[timem:s3], [sflag:s2] =	dma.local @!p0 [hbm:s0], s1  }
0x1aa: {  	s0 =	simm.s32 @!p0 $0x2  }
0x1ab: {  	_ =	swait.ge @!p0 [sflag:s0], s1  }
0x1ac: {  	s1 =	ssub.s32 @!p0 $0x0, s1;
	[sflag:s0] =	ssyncset.done @!p0 $0x0  }
0x1ad: {  	[sflag:s0] =	ssyncadd.s32 @!p0 s1  }
0x1ae: {  	[bflag:$0x3] =	sbarrier.arrive $0xFFFF  }
0x1af: {  	_ =	shalt  }

</sc_bundles>
